<compile_context>
chip_gen: v7x
topology: tpu7x:2x2x1
jax: 0.10.2.dev20260603
libtpu: 0.0.44.dev20260713+nightly
codegen_flags: <defaults>
</compile_context>

<pallas_src>
import functools

import jax
import jax.numpy as jnp
from jax import lax
from jax.experimental import pallas as pl
from jax.experimental.pallas import tpu as pltpu
from jax.experimental.pallas import tpu_sc as plsc

D = 256
K = 8192
B = 32
T = 576
N = B * T
COMMITMENT_WEIGHT = 0.25

M_BLK = 1024
ZONE_W = 2736
ZONE_PAD = 2816
CHUNK = 1408
GRID_M = N // M_BLK

def _dist_argmin_body(zsq_ref, x_ref, et_ref, esq_ref, idx_ref, minv_ref):
    xm2 = (x_ref[...] * (-2.0)).astype(jnp.bfloat16)
    zsq = zsq_ref[...]
    run_min = jnp.full((M_BLK, 1), jnp.inf, dtype=jnp.float32)
    run_idx = jnp.zeros((M_BLK, 1), dtype=jnp.int32)
    lane = lax.broadcasted_iota(jnp.int32, (M_BLK, 128), 1)
    for zone in range(3):
        sl = pl.ds(zone * ZONE_PAD, ZONE_PAD)
        ab2 = jnp.dot(xm2, et_ref[:, sl], preferred_element_type=jnp.float32)
        runv = jnp.full((M_BLK, 128), jnp.inf, dtype=jnp.float32)
        runs = jnp.zeros((M_BLK, 128), dtype=jnp.int32)
        for sslab in range(ZONE_PAD // 128):
            co = sslab * 128
            ds = (zsq + ab2[:, co:co + 128]
                  + esq_ref[:, zone * ZONE_PAD + co:zone * ZONE_PAD + co + 128])
            lt = ds < runv
            runv = jnp.where(lt, ds, runv)
            runs = jnp.where(lt, jnp.int32(sslab), runs)
        zmin = jnp.min(runv, axis=1, keepdims=True)
        runc = runs * jnp.int32(128) + (lane + jnp.int32(zone * ZONE_W))
        cand = jnp.where(runv == zmin, runc, jnp.int32(2**30))
        zidx = jnp.min(cand, axis=1, keepdims=True)
        upd = zmin < run_min
        run_idx = jnp.where(upd, zidx, run_idx)
        run_min = jnp.where(upd, zmin, run_min)
        run_min = run_min.astype(jnp.bfloat16).astype(jnp.float32)
    idx_ref[...] = run_idx
    minv_ref[...] = run_min


def _vq_dist_argmin(xm2, emb_t, zsq, esq):
    return pl.pallas_call(
        _dist_argmin_body,
        grid=(GRID_M,),
        in_specs=[
            pl.BlockSpec((M_BLK, 1), lambda i: (i, 0)),
            pl.BlockSpec((M_BLK, D), lambda i: (i, 0)),
            pl.BlockSpec((D, 3 * ZONE_PAD), lambda i: (0, 0)),
            pl.BlockSpec((1, 3 * ZONE_PAD), lambda i: (0, 0)),
        ],
        out_specs=[
            pl.BlockSpec((M_BLK, 1), lambda i: (i, 0)),
            pl.BlockSpec((M_BLK, 1), lambda i: (i, 0)),
        ],
        out_shape=[
            jax.ShapeDtypeStruct((N, 1), jnp.int32),
            jax.ShapeDtypeStruct((N, 1), jnp.float32),
        ],
    )(zsq, xm2, emb_t, esq)


_NC = 2
_NS = 16
_NW = _NC * _NS
_B_PER_W = N // _NW
_SC_CHUNK = 96
_SC_STEPS = _B_PER_W // _SC_CHUNK


@functools.cache
def _make_sc_gather():
    @functools.partial(
        pl.kernel,
        mesh=plsc.VectorSubcoreMesh(core_axis_name="c", subcore_axis_name="s"),
        out_type=jax.ShapeDtypeStruct((N, D), jnp.float32),
        scratch_types=[
            pltpu.VMEM((2, _SC_CHUNK), jnp.int32),
            pltpu.VMEM((2, _SC_CHUNK, D), jnp.float32),
            pltpu.SemaphoreType.DMA,
            pltpu.SemaphoreType.DMA,
            pltpu.SemaphoreType.DMA,
            pltpu.SemaphoreType.DMA,
        ],
    )
    def _sc_gather(idx_hbm, table_hbm, out_hbm, idx_v, rows_v, g0, g1, w0, w1):
        wid = lax.axis_index("s") * _NC + lax.axis_index("c")
        base = wid * _B_PER_W
        gsem = (g0, g1)
        wsem = (w0, w1)
        pltpu.sync_copy(idx_hbm.at[pl.ds(base, _SC_CHUNK)], idx_v.at[0])
        gath = {0: pltpu.async_copy(table_hbm.at[idx_v.at[0]], rows_v.at[0], g0)}
        wb = {}
        for c in range(_SC_STEPS):
            b = c % 2
            if c + 1 < _SC_STEPS:
                nb = (c + 1) % 2
                cb1 = base + (c + 1) * _SC_CHUNK
                if c - 1 >= 0:
                    wb[c - 1].wait()
                pltpu.sync_copy(idx_hbm.at[pl.ds(cb1, _SC_CHUNK)], idx_v.at[nb])
                gath[c + 1] = pltpu.async_copy(
                    table_hbm.at[idx_v.at[nb]], rows_v.at[nb], gsem[nb])
            gath[c].wait()
            wb[c] = pltpu.async_copy(
                rows_v.at[b], out_hbm.at[pl.ds(base + c * _SC_CHUNK, _SC_CHUNK)],
                wsem[b])
        wb[_SC_STEPS - 1].wait()
        wb[_SC_STEPS - 2].wait()

    return _sc_gather


def kernel(z_e, embeddings):
    input_shape = z_e.shape
    flat = z_e.reshape(-1, D)
    zsq = jnp.sum(flat * flat, axis=-1, keepdims=True)
    esq = jnp.sum(embeddings * embeddings, axis=-1)[None, :]
    et = embeddings.T.astype(jnp.bfloat16)
    et_pad = jnp.concatenate(
        [jnp.pad(et[:, z * ZONE_W:(z + 1) * ZONE_W],
                 ((0, 0), (0, ZONE_PAD - min(ZONE_W, K - z * ZONE_W))))
         for z in range(3)], axis=1)
    esq_pad = jnp.concatenate(
        [jnp.pad(esq[:, z * ZONE_W:(z + 1) * ZONE_W],
                 ((0, 0), (0, ZONE_PAD - min(ZONE_W, K - z * ZONE_W))),
                 constant_values=jnp.inf)
         for z in range(3)], axis=1)
    idx2, minv = _vq_dist_argmin(flat, et_pad, zsq, esq_pad)
    idx = idx2.reshape(-1)
    z_q = _make_sc_gather()(idx, embeddings)
    commit_loss = jnp.sum(minv) * (COMMITMENT_WEIGHT / (N * D))
    z_q = z_q.reshape(input_shape)
    indices_out = idx.reshape(input_shape[:-1])
    return (z_q, indices_out, commit_loss, z_q)

# --- scband reference (transcript-rebuilt; emitter-appended) ---
"""Pipeline reference for scband-vqtokenizer-head-70918499991688 (READ-ONLY COPY).

The authoritative reference and input builder live on the scoring server;
editing this copy changes nothing except your own understanding.
"""

import jax, jax.numpy as jnp
import numpy as np

CODE_DIM = 256
CODEBOOK_SIZE = 8192
COMMITMENT_WEIGHT = 0.25


def _xavier_uniform(key, shape, dtype=jnp.float32):
    # matches nn.init.xavier_uniform_ on a (1, K, D) tensor: fan_in=K, fan_out=D
    fan_in, fan_out = shape[0], shape[1]
    bound = float(np.sqrt(6.0 / (fan_in + fan_out)))
    return jax.random.uniform(key, shape, dtype=dtype, minval=-bound, maxval=bound)


def setup_inputs(seed: int = 0) -> dict:
    key = jax.random.key(seed)
    k1, k2 = jax.random.split(key)
    z_e = jax.random.normal(k1, (32, 576, CODE_DIM), dtype=jnp.float32)
    embeddings = _xavier_uniform(k2, (CODEBOOK_SIZE, CODE_DIM))
    return {"z_e": z_e, "embeddings": embeddings}


def reference(z_e, embeddings):
    input_shape = z_e.shape
    flat = z_e.reshape(-1, CODE_DIM)
    # squared L2 distances: ||z||^2 - 2 z e^T + ||e||^2
    d = (jnp.sum(flat * flat, axis=-1, keepdims=True)
         - 2.0 * flat @ embeddings.T
         + jnp.sum(embeddings * embeddings, axis=-1)[None, :])
    indices = jnp.argmin(d, axis=-1)
    z_q = jnp.take(embeddings, indices, axis=0)
    commit_loss = jnp.mean((flat - jax.lax.stop_gradient(z_q)) ** 2)
    z_q_st = flat + jax.lax.stop_gradient(z_q - flat)
    z_q_st = z_q_st.reshape(input_shape)
    z_q_detached = jax.lax.stop_gradient(z_q).reshape(input_shape)
    indices_out = indices.reshape(input_shape[:-1])
    return (z_q_st, indices_out, commit_loss * COMMITMENT_WEIGHT, z_q_detached)

if __name__ == "__main__":
    import jax
    _d = setup_inputs()
    print(jax.jit(kernel)(*tuple(_d.values())))

</pallas_src>

<mosaic_0001>
#map = affine_map<(d0, d1) -> (0)>
#map1 = affine_map<(d0, d1) -> (0, 0)>
module attributes {stable_mosaic.version = 14 : i64} {
  func.func @_sc_gather(%arg0: i32, %arg1: i32, %arg2: memref<18432xi32, #tpu.memory_space<hbm>>, %arg3: memref<8192x256xf32, #tpu.memory_space<hbm>>, %arg4: memref<18432x256xf32, #tpu.memory_space<hbm>>, %arg5: memref<2x96xi32, #tpu.memory_space<vmem>>, %arg6: memref<2x96x256xf32, #tpu.memory_space<vmem>>, %arg7: memref<!tpu.dma_semaphore, #tpu.memory_space<semaphore_mem>>, %arg8: memref<!tpu.dma_semaphore, #tpu.memory_space<semaphore_mem>>, %arg9: memref<!tpu.dma_semaphore, #tpu.memory_space<semaphore_mem>>, %arg10: memref<!tpu.dma_semaphore, #tpu.memory_space<semaphore_mem>>) attributes {dimension_semantics = [#tpu.dimension_semantics<core_parallel>, #tpu.dimension_semantics<subcore_parallel>], iteration_bounds = array<i64: 2, 16>, scalar_prefetch = 0 : i64, scratch_operands = 6 : i64, tpu.core_type = #tpu.core_type<sc_vector_subcore>, window_params = [{transform_indices = #map}, {transform_indices = #map1}, {transform_indices = #map1}]} {
    %mul3A = arith.constant 2 : i32
    %mul3A_0 = arith.muli %arg1, %mul3A : i32
    %add3A = arith.addi %mul3A_0, %arg0 : i32
    %mul3A_1 = arith.constant 576 : i32
    %mul3A_2 = arith.muli %add3A, %mul3A_1 : i32
    %run_scoped3A = arith.constant 0 : i32
    "tpu.region"() ({
      %run_scoped3A_328 = tpu.sem_alloc : memref<!tpu.dma_semaphore, #tpu.memory_space<semaphore_mem>>
      %dma_start3A_329 = arith.constant 0 : i32
      %dma_start3A_330 = tpu.memref_slice %arg5[%run_scoped3A, %dma_start3A_329] : memref<2x96xi32, #tpu.memory_space<vmem>> -> memref<1x96xi32, #tpu.memory_space<vmem>>
      %dma_start3A_331 = tpu.memref_squeeze %dma_start3A_330 : memref<1x96xi32, #tpu.memory_space<vmem>> -> memref<96xi32, #tpu.memory_space<vmem>>
      %dma_start3A_332 = tpu.memref_slice %arg2[%mul3A_2] : memref<18432xi32, #tpu.memory_space<hbm>> -> memref<96xi32, #tpu.memory_space<hbm>>
      %dma_start3A_333 = arith.constant 0 : i32
      %dma_start3A_334 = tpu.memref_slice %arg5[%run_scoped3A, %dma_start3A_333] : memref<2x96xi32, #tpu.memory_space<vmem>> -> memref<1x96xi32, #tpu.memory_space<vmem>>
      %dma_start3A_335 = tpu.memref_squeeze %dma_start3A_334 : memref<1x96xi32, #tpu.memory_space<vmem>> -> memref<96xi32, #tpu.memory_space<vmem>>
      %dma_start3A_336 = tpu.memref_slice %arg2[%mul3A_2] : memref<18432xi32, #tpu.memory_space<hbm>> -> memref<96xi32, #tpu.memory_space<hbm>>
      tpu.enqueue_dma source(%dma_start3A_336 : memref<96xi32, #tpu.memory_space<hbm>>) target(%dma_start3A_335 : memref<96xi32, #tpu.memory_space<vmem>>) target_semaphore(%run_scoped3A_328 : memref<!tpu.dma_semaphore, #tpu.memory_space<semaphore_mem>>)
      %dma_wait3A_337 = arith.constant 0 : i32
      %dma_wait3A_338 = tpu.memref_slice %arg5[%run_scoped3A, %dma_wait3A_337] : memref<2x96xi32, #tpu.memory_space<vmem>> -> memref<1x96xi32, #tpu.memory_space<vmem>>
      %dma_wait3A_339 = tpu.memref_squeeze %dma_wait3A_338 : memref<1x96xi32, #tpu.memory_space<vmem>> -> memref<96xi32, #tpu.memory_space<vmem>>
      %dma_wait3A_340 = tpu.memref_slice %arg2[%mul3A_2] : memref<18432xi32, #tpu.memory_space<hbm>> -> memref<96xi32, #tpu.memory_space<hbm>>
      %dma_wait3A_341 = arith.constant 0 : i32
      %dma_wait3A_342 = tpu.memref_slice %arg5[%run_scoped3A, %dma_wait3A_341] : memref<2x96xi32, #tpu.memory_space<vmem>> -> memref<1x96xi32, #tpu.memory_space<vmem>>
      %dma_wait3A_343 = tpu.memref_squeeze %dma_wait3A_342 : memref<1x96xi32, #tpu.memory_space<vmem>> -> memref<96xi32, #tpu.memory_space<vmem>>
      %dma_wait3A_344 = tpu.memref_slice %arg2[%mul3A_2] : memref<18432xi32, #tpu.memory_space<hbm>> -> memref<96xi32, #tpu.memory_space<hbm>>
      tpu.wait_dma2 semaphore(%run_scoped3A_328 : memref<!tpu.dma_semaphore, #tpu.memory_space<semaphore_mem>>) src(%dma_wait3A_344 : memref<96xi32, #tpu.memory_space<hbm>>) dst(%dma_wait3A_343 : memref<96xi32, #tpu.memory_space<vmem>>)
      tpu.yield
    }) : () -> ()
    %dma_start3A = arith.constant 0 : i32
    %dma_start3A_3 = arith.constant 0 : i32
    %dma_start3A_4 = arith.constant 0 : i32
    %dma_start3A_5 = arith.constant 0 : i32
    %dma_start3A_6 = tpu.memref_slice %arg6[%dma_start3A_3, %dma_start3A_4, %dma_start3A_5] : memref<2x96x256xf32, #tpu.memory_space<vmem>> -> memref<1x96x256xf32, #tpu.memory_space<vmem>>
    %dma_start3A_7 = tpu.memref_squeeze %dma_start3A_6 : memref<1x96x256xf32, #tpu.memory_space<vmem>> -> memref<96x256xf32, #tpu.memory_space<vmem>>
    %dma_start3A_8 = arith.constant 0 : i32
    %dma_start3A_9 = tpu.memref_slice %arg5[%dma_start3A, %dma_start3A_8] : memref<2x96xi32, #tpu.memory_space<vmem>> -> memref<1x96xi32, #tpu.memory_space<vmem>>
    %dma_start3A_10 = tpu.memref_squeeze %dma_start3A_9 : memref<1x96xi32, #tpu.memory_space<vmem>> -> memref<96xi32, #tpu.memory_space<vmem>>
    %dma_start3A_11 = arith.constant 0 : i32
    %dma_start3A_12 = arith.constant 0 : i32
    %dma_start3A_13 = tpu.memref_slice %arg3[%dma_start3A_11, %dma_start3A_12] : memref<8192x256xf32, #tpu.memory_space<hbm>> -> memref<8192x256xf32, #tpu.memory_space<hbm>>
    tpu.enqueue_indirect_dma source(%dma_start3A_13 : memref<8192x256xf32, #tpu.memory_space<hbm>>) target(%dma_start3A_7 : memref<96x256xf32, #tpu.memory_space<vmem>>) offsets(%dma_start3A_10 : memref<96xi32, #tpu.memory_space<vmem>>) semaphore(%arg7 : memref<!tpu.dma_semaphore, #tpu.memory_space<semaphore_mem>>)
    %add3A_14 = arith.constant 96 : i32
    %add3A_15 = arith.addi %mul3A_2, %add3A_14 : i32
    %run_scoped3A_16 = arith.constant 1 : i32
    "tpu.region"() ({
      %run_scoped3A_328 = tpu.sem_alloc : memref<!tpu.dma_semaphore, #tpu.memory_space<semaphore_mem>>
      %dma_start3A_329 = arith.constant 0 : i32
      %dma_start3A_330 = tpu.memref_slice %arg5[%run_scoped3A_16, %dma_start3A_329] : memref<2x96xi32, #tpu.memory_space<vmem>> -> memref<1x96xi32, #tpu.memory_space<vmem>>
      %dma_start3A_331 = tpu.memref_squeeze %dma_start3A_330 : memref<1x96xi32, #tpu.memory_space<vmem>> -> memref<96xi32, #tpu.memory_space<vmem>>
      %dma_start3A_332 = tpu.memref_slice %arg2[%add3A_15] : memref<18432xi32, #tpu.memory_space<hbm>> -> memref<96xi32, #tpu.memory_space<hbm>>
      %dma_start3A_333 = arith.constant 0 : i32
      %dma_start3A_334 = tpu.memref_slice %arg5[%run_scoped3A_16, %dma_start3A_333] : memref<2x96xi32, #tpu.memory_space<vmem>> -> memref<1x96xi32, #tpu.memory_space<vmem>>
      %dma_start3A_335 = tpu.memref_squeeze %dma_start3A_334 : memref<1x96xi32, #tpu.memory_space<vmem>> -> memref<96xi32, #tpu.memory_space<vmem>>
      %dma_start3A_336 = tpu.memref_slice %arg2[%add3A_15] : memref<18432xi32, #tpu.memory_space<hbm>> -> memref<96xi32, #tpu.memory_space<hbm>>
      tpu.enqueue_dma source(%dma_start3A_336 : memref<96xi32, #tpu.memory_space<hbm>>) target(%dma_start3A_335 : memref<96xi32, #tpu.memory_space<vmem>>) target_semaphore(%run_scoped3A_328 : memref<!tpu.dma_semaphore, #tpu.memory_space<semaphore_mem>>)
      %dma_wait3A_337 = arith.constant 0 : i32
      %dma_wait3A_338 = tpu.memref_slice %arg5[%run_scoped3A_16, %dma_wait3A_337] : memref<2x96xi32, #tpu.memory_space<vmem>> -> memref<1x96xi32, #tpu.memory_space<vmem>>
      %dma_wait3A_339 = tpu.memref_squeeze %dma_wait3A_338 : memref<1x96xi32, #tpu.memory_space<vmem>> -> memref<96xi32, #tpu.memory_space<vmem>>
      %dma_wait3A_340 = tpu.memref_slice %arg2[%add3A_15] : memref<18432xi32, #tpu.memory_space<hbm>> -> memref<96xi32, #tpu.memory_space<hbm>>
      %dma_wait3A_341 = arith.constant 0 : i32
      %dma_wait3A_342 = tpu.memref_slice %arg5[%run_scoped3A_16, %dma_wait3A_341] : memref<2x96xi32, #tpu.memory_space<vmem>> -> memref<1x96xi32, #tpu.memory_space<vmem>>
      %dma_wait3A_343 = tpu.memref_squeeze %dma_wait3A_342 : memref<1x96xi32, #tpu.memory_space<vmem>> -> memref<96xi32, #tpu.memory_space<vmem>>
      %dma_wait3A_344 = tpu.memref_slice %arg2[%add3A_15] : memref<18432xi32, #tpu.memory_space<hbm>> -> memref<96xi32, #tpu.memory_space<hbm>>
      tpu.wait_dma2 semaphore(%run_scoped3A_328 : memref<!tpu.dma_semaphore, #tpu.memory_space<semaphore_mem>>) src(%dma_wait3A_344 : memref<96xi32, #tpu.memory_space<hbm>>) dst(%dma_wait3A_343 : memref<96xi32, #tpu.memory_space<vmem>>)
      tpu.yield
    }) : () -> ()
    %dma_start3A_17 = arith.constant 1 : i32
    %dma_start3A_18 = arith.constant 1 : i32
    %dma_start3A_19 = arith.constant 0 : i32
    %dma_start3A_20 = arith.constant 0 : i32
    %dma_start3A_21 = tpu.memref_slice %arg6[%dma_start3A_18, %dma_start3A_19, %dma_start3A_20] : memref<2x96x256xf32, #tpu.memory_space<vmem>> -> memref<1x96x256xf32, #tpu.memory_space<vmem>>
    %dma_start3A_22 = tpu.memref_squeeze %dma_start3A_21 : memref<1x96x256xf32, #tpu.memory_space<vmem>> -> memref<96x256xf32, #tpu.memory_space<vmem>>
    %dma_start3A_23 = arith.constant 0 : i32
    %dma_start3A_24 = tpu.memref_slice %arg5[%dma_start3A_17, %dma_start3A_23] : memref<2x96xi32, #tpu.memory_space<vmem>> -> memref<1x96xi32, #tpu.memory_space<vmem>>
    %dma_start3A_25 = tpu.memref_squeeze %dma_start3A_24 : memref<1x96xi32, #tpu.memory_space<vmem>> -> memref<96xi32, #tpu.memory_space<vmem>>
    %dma_start3A_26 = arith.constant 0 : i32
    %dma_start3A_27 = arith.constant 0 : i32
    %dma_start3A_28 = tpu.memref_slice %arg3[%dma_start3A_26, %dma_start3A_27] : memref<8192x256xf32, #tpu.memory_space<hbm>> -> memref<8192x256xf32, #tpu.memory_space<hbm>>
    tpu.enqueue_indirect_dma source(%dma_start3A_28 : memref<8192x256xf32, #tpu.memory_space<hbm>>) target(%dma_start3A_22 : memref<96x256xf32, #tpu.memory_space<vmem>>) offsets(%dma_start3A_25 : memref<96xi32, #tpu.memory_space<vmem>>) semaphore(%arg8 : memref<!tpu.dma_semaphore, #tpu.memory_space<semaphore_mem>>)
    %dma_wait3A = arith.constant 0 : i32
    %dma_wait3A_29 = arith.constant 0 : i32
    %dma_wait3A_30 = arith.constant 0 : i32
    %dma_wait3A_31 = arith.constant 0 : i32
    %dma_wait3A_32 = tpu.memref_slice %arg6[%dma_wait3A_29, %dma_wait3A_30, %dma_wait3A_31] : memref<2x96x256xf32, #tpu.memory_space<vmem>> -> memref<1x96x256xf32, #tpu.memory_space<vmem>>
    %dma_wait3A_33 = tpu.memref_squeeze %dma_wait3A_32 : memref<1x96x256xf32, #tpu.memory_space<vmem>> -> memref<96x256xf32, #tpu.memory_space<vmem>>
    %dma_wait3A_34 = arith.constant 0 : i32
    %dma_wait3A_35 = tpu.memref_slice %arg5[%dma_wait3A, %dma_wait3A_34] : memref<2x96xi32, #tpu.memory_space<vmem>> -> memref<1x96xi32, #tpu.memory_space<vmem>>
    %dma_wait3A_36 = tpu.memref_squeeze %dma_wait3A_35 : memref<1x96xi32, #tpu.memory_space<vmem>> -> memref<96xi32, #tpu.memory_space<vmem>>
    %dma_wait3A_37 = arith.constant 0 : i32
    %dma_wait3A_38 = arith.constant 0 : i32
    %dma_wait3A_39 = tpu.memref_slice %arg3[%dma_wait3A_37, %dma_wait3A_38] : memref<8192x256xf32, #tpu.memory_space<hbm>> -> memref<8192x256xf32, #tpu.memory_space<hbm>>
    tpu.wait_indirect_dma semaphore(%arg7 : memref<!tpu.dma_semaphore, #tpu.memory_space<semaphore_mem>>) src(%dma_wait3A_39 : memref<8192x256xf32, #tpu.memory_space<hbm>>) dst(%dma_wait3A_33 : memref<96x256xf32, #tpu.memory_space<vmem>>)
    %add3A_40 = arith.constant 0 : i32
    %add3A_41 = arith.addi %mul3A_2, %add3A_40 : i32
    %dma_start3A_42 = arith.constant 0 : i32
    %dma_start3A_43 = arith.constant 0 : i32
    %dma_start3A_44 = arith.constant 0 : i32
    %dma_start3A_45 = tpu.memref_slice %arg6[%dma_start3A_42, %dma_start3A_43, %dma_start3A_44] : memref<2x96x256xf32, #tpu.memory_space<vmem>> -> memref<1x96x256xf32, #tpu.memory_space<vmem>>
    %dma_start3A_46 = tpu.memref_squeeze %dma_start3A_45 : memref<1x96x256xf32, #tpu.memory_space<vmem>> -> memref<96x256xf32, #tpu.memory_space<vmem>>
    %dma_start3A_47 = arith.constant 0 : i32
    %dma_start3A_48 = tpu.memref_slice %arg4[%add3A_41, %dma_start3A_47] : memref<18432x256xf32, #tpu.memory_space<hbm>> -> memref<96x256xf32, #tpu.memory_space<hbm>>
    %dma_start3A_49 = arith.constant 0 : i32
    %dma_start3A_50 = tpu.memref_slice %arg4[%add3A_41, %dma_start3A_49] : memref<18432x256xf32, #tpu.memory_space<hbm>> -> memref<96x256xf32, #tpu.memory_space<hbm>>
    %dma_start3A_51 = arith.constant 0 : i32
    %dma_start3A_52 = arith.constant 0 : i32
    %dma_start3A_53 = tpu.memref_slice %arg6[%dma_start3A_42, %dma_start3A_51, %dma_start3A_52] : memref<2x96x256xf32, #tpu.memory_space<vmem>> -> memref<1x96x256xf32, #tpu.memory_space<vmem>>
    %dma_start3A_54 = tpu.memref_squeeze %dma_start3A_53 : memref<1x96x256xf32, #tpu.memory_space<vmem>> -> memref<96x256xf32, #tpu.memory_space<vmem>>
    tpu.enqueue_dma source(%dma_start3A_54 : memref<96x256xf32, #tpu.memory_space<vmem>>) target(%dma_start3A_50 : memref<96x256xf32, #tpu.memory_space<hbm>>) target_semaphore(%arg9 : memref<!tpu.dma_semaphore, #tpu.memory_space<semaphore_mem>>)
    %add3A_55 = arith.constant 192 : i32
    %add3A_56 = arith.addi %mul3A_2, %add3A_55 : i32
    %dma_wait3A_57 = arith.constant 0 : i32
    %dma_wait3A_58 = arith.constant 0 : i32
    %dma_wait3A_59 = arith.constant 0 : i32
    %dma_wait3A_60 = tpu.memref_slice %arg6[%dma_wait3A_57, %dma_wait3A_58, %dma_wait3A_59] : memref<2x96x256xf32, #tpu.memory_space<vmem>> -> memref<1x96x256xf32, #tpu.memory_space<vmem>>
    %dma_wait3A_61 = tpu.memref_squeeze %dma_wait3A_60 : memref<1x96x256xf32, #tpu.memory_space<vmem>> -> memref<96x256xf32, #tpu.memory_space<vmem>>
    %dma_wait3A_62 = arith.constant 0 : i32
    %dma_wait3A_63 = tpu.memref_slice %arg4[%add3A_41, %dma_wait3A_62] : memref<18432x256xf32, #tpu.memory_space<hbm>> -> memref<96x256xf32, #tpu.memory_space<hbm>>
    %dma_wait3A_64 = arith.constant 0 : i32
    %dma_wait3A_65 = tpu.memref_slice %arg4[%add3A_41, %dma_wait3A_64] : memref<18432x256xf32, #tpu.memory_space<hbm>> -> memref<96x256xf32, #tpu.memory_space<hbm>>
    %dma_wait3A_66 = arith.constant 0 : i32
    %dma_wait3A_67 = arith.constant 0 : i32
    %dma_wait3A_68 = tpu.memref_slice %arg6[%dma_wait3A_57, %dma_wait3A_66, %dma_wait3A_67] : memref<2x96x256xf32, #tpu.memory_space<vmem>> -> memref<1x96x256xf32, #tpu.memory_space<vmem>>
    %dma_wait3A_69 = tpu.memref_squeeze %dma_wait3A_68 : memref<1x96x256xf32, #tpu.memory_space<vmem>> -> memref<96x256xf32, #tpu.memory_space<vmem>>
    tpu.wait_dma2 semaphore(%arg9 : memref<!tpu.dma_semaphore, #tpu.memory_space<semaphore_mem>>) src(%dma_wait3A_69 : memref<96x256xf32, #tpu.memory_space<vmem>>) dst(%dma_wait3A_65 : memref<96x256xf32, #tpu.memory_space<hbm>>)
    %run_scoped3A_70 = arith.constant 0 : i32
    "tpu.region"() ({
      %run_scoped3A_328 = tpu.sem_alloc : memref<!tpu.dma_semaphore, #tpu.memory_space<semaphore_mem>>
      %dma_start3A_329 = arith.constant 0 : i32
      %dma_start3A_330 = tpu.memref_slice %arg5[%run_scoped3A_70, %dma_start3A_329] : memref<2x96xi32, #tpu.memory_space<vmem>> -> memref<1x96xi32, #tpu.memory_space<vmem>>
      %dma_start3A_331 = tpu.memref_squeeze %dma_start3A_330 : memref<1x96xi32, #tpu.memory_space<vmem>> -> memref<96xi32, #tpu.memory_space<vmem>>
      %dma_start3A_332 = tpu.memref_slice %arg2[%add3A_56] : memref<18432xi32, #tpu.memory_space<hbm>> -> memref<96xi32, #tpu.memory_space<hbm>>
      %dma_start3A_333 = arith.constant 0 : i32
      %dma_start3A_334 = tpu.memref_slice %arg5[%run_scoped3A_70, %dma_start3A_333] : memref<2x96xi32, #tpu.memory_space<vmem>> -> memref<1x96xi32, #tpu.memory_space<vmem>>
      %dma_start3A_335 = tpu.memref_squeeze %dma_start3A_334 : memref<1x96xi32, #tpu.memory_space<vmem>> -> memref<96xi32, #tpu.memory_space<vmem>>
      %dma_start3A_336 = tpu.memref_slice %arg2[%add3A_56] : memref<18432xi32, #tpu.memory_space<hbm>> -> memref<96xi32, #tpu.memory_space<hbm>>
      tpu.enqueue_dma source(%dma_start3A_336 : memref<96xi32, #tpu.memory_space<hbm>>) target(%dma_start3A_335 : memref<96xi32, #tpu.memory_space<vmem>>) target_semaphore(%run_scoped3A_328 : memref<!tpu.dma_semaphore, #tpu.memory_space<semaphore_mem>>)
      %dma_wait3A_337 = arith.constant 0 : i32
      %dma_wait3A_338 = tpu.memref_slice %arg5[%run_scoped3A_70, %dma_wait3A_337] : memref<2x96xi32, #tpu.memory_space<vmem>> -> memref<1x96xi32, #tpu.memory_space<vmem>>
      %dma_wait3A_339 = tpu.memref_squeeze %dma_wait3A_338 : memref<1x96xi32, #tpu.memory_space<vmem>> -> memref<96xi32, #tpu.memory_space<vmem>>
      %dma_wait3A_340 = tpu.memref_slice %arg2[%add3A_56] : memref<18432xi32, #tpu.memory_space<hbm>> -> memref<96xi32, #tpu.memory_space<hbm>>
      %dma_wait3A_341 = arith.constant 0 : i32
      %dma_wait3A_342 = tpu.memref_slice %arg5[%run_scoped3A_70, %dma_wait3A_341] : memref<2x96xi32, #tpu.memory_space<vmem>> -> memref<1x96xi32, #tpu.memory_space<vmem>>
      %dma_wait3A_343 = tpu.memref_squeeze %dma_wait3A_342 : memref<1x96xi32, #tpu.memory_space<vmem>> -> memref<96xi32, #tpu.memory_space<vmem>>
      %dma_wait3A_344 = tpu.memref_slice %arg2[%add3A_56] : memref<18432xi32, #tpu.memory_space<hbm>> -> memref<96xi32, #tpu.memory_space<hbm>>
      tpu.wait_dma2 semaphore(%run_scoped3A_328 : memref<!tpu.dma_semaphore, #tpu.memory_space<semaphore_mem>>) src(%dma_wait3A_344 : memref<96xi32, #tpu.memory_space<hbm>>) dst(%dma_wait3A_343 : memref<96xi32, #tpu.memory_space<vmem>>)
      tpu.yield
    }) : () -> ()
    %dma_start3A_71 = arith.constant 0 : i32
    %dma_start3A_72 = arith.constant 0 : i32
    %dma_start3A_73 = arith.constant 0 : i32
    %dma_start3A_74 = arith.constant 0 : i32
    %dma_start3A_75 = tpu.memref_slice %arg6[%dma_start3A_72, %dma_start3A_73, %dma_start3A_74] : memref<2x96x256xf32, #tpu.memory_space<vmem>> -> memref<1x96x256xf32, #tpu.memory_space<vmem>>
    %dma_start3A_76 = tpu.memref_squeeze %dma_start3A_75 : memref<1x96x256xf32, #tpu.memory_space<vmem>> -> memref<96x256xf32, #tpu.memory_space<vmem>>
    %dma_start3A_77 = arith.constant 0 : i32
    %dma_start3A_78 = tpu.memref_slice %arg5[%dma_start3A_71, %dma_start3A_77] : memref<2x96xi32, #tpu.memory_space<vmem>> -> memref<1x96xi32, #tpu.memory_space<vmem>>
    %dma_start3A_79 = tpu.memref_squeeze %dma_start3A_78 : memref<1x96xi32, #tpu.memory_space<vmem>> -> memref<96xi32, #tpu.memory_space<vmem>>
    %dma_start3A_80 = arith.constant 0 : i32
    %dma_start3A_81 = arith.constant 0 : i32
    %dma_start3A_82 = tpu.memref_slice %arg3[%dma_start3A_80, %dma_start3A_81] : memref<8192x256xf32, #tpu.memory_space<hbm>> -> memref<8192x256xf32, #tpu.memory_space<hbm>>
    tpu.enqueue_indirect_dma source(%dma_start3A_82 : memref<8192x256xf32, #tpu.memory_space<hbm>>) target(%dma_start3A_76 : memref<96x256xf32, #tpu.memory_space<vmem>>) offsets(%dma_start3A_79 : memref<96xi32, #tpu.memory_space<vmem>>) semaphore(%arg7 : memref<!tpu.dma_semaphore, #tpu.memory_space<semaphore_mem>>)
    %dma_wait3A_83 = arith.constant 1 : i32
    %dma_wait3A_84 = arith.constant 1 : i32
    %dma_wait3A_85 = arith.constant 0 : i32
    %dma_wait3A_86 = arith.constant 0 : i32
    %dma_wait3A_87 = tpu.memref_slice %arg6[%dma_wait3A_84, %dma_wait3A_85, %dma_wait3A_86] : memref<2x96x256xf32, #tpu.memory_space<vmem>> -> memref<1x96x256xf32, #tpu.memory_space<vmem>>
    %dma_wait3A_88 = tpu.memref_squeeze %dma_wait3A_87 : memref<1x96x256xf32, #tpu.memory_space<vmem>> -> memref<96x256xf32, #tpu.memory_space<vmem>>
    %dma_wait3A_89 = arith.constant 0 : i32
    %dma_wait3A_90 = tpu.memref_slice %arg5[%dma_wait3A_83, %dma_wait3A_89] : memref<2x96xi32, #tpu.memory_space<vmem>> -> memref<1x96xi32, #tpu.memory_space<vmem>>
    %dma_wait3A_91 = tpu.memref_squeeze %dma_wait3A_90 : memref<1x96xi32, #tpu.memory_space<vmem>> -> memref<96xi32, #tpu.memory_space<vmem>>
    %dma_wait3A_92 = arith.constant 0 : i32
    %dma_wait3A_93 = arith.constant 0 : i32
    %dma_wait3A_94 = tpu.memref_slice %arg3[%dma_wait3A_92, %dma_wait3A_93] : memref<8192x256xf32, #tpu.memory_space<hbm>> -> memref<8192x256xf32, #tpu.memory_space<hbm>>
    tpu.wait_indirect_dma semaphore(%arg8 : memref<!tpu.dma_semaphore, #tpu.memory_space<semaphore_mem>>) src(%dma_wait3A_94 : memref<8192x256xf32, #tpu.memory_space<hbm>>) dst(%dma_wait3A_88 : memref<96x256xf32, #tpu.memory_space<vmem>>)
    %add3A_95 = arith.constant 96 : i32
    %add3A_96 = arith.addi %mul3A_2, %add3A_95 : i32
    %dma_start3A_97 = arith.constant 1 : i32
    %dma_start3A_98 = arith.constant 0 : i32
    %dma_start3A_99 = arith.constant 0 : i32
    %dma_start3A_100 = tpu.memref_slice %arg6[%dma_start3A_97, %dma_start3A_98, %dma_start3A_99] : memref<2x96x256xf32, #tpu.memory_space<vmem>> -> memref<1x96x256xf32, #tpu.memory_space<vmem>>
    %dma_start3A_101 = tpu.memref_squeeze %dma_start3A_100 : memref<1x96x256xf32, #tpu.memory_space<vmem>> -> memref<96x256xf32, #tpu.memory_space<vmem>>
    %dma_start3A_102 = arith.constant 0 : i32
    %dma_start3A_103 = tpu.memref_slice %arg4[%add3A_96, %dma_start3A_102] : memref<18432x256xf32, #tpu.memory_space<hbm>> -> memref<96x256xf32, #tpu.memory_space<hbm>>
    %dma_start3A_104 = arith.constant 0 : i32
    %dma_start3A_105 = tpu.memref_slice %arg4[%add3A_96, %dma_start3A_104] : memref<18432x256xf32, #tpu.memory_space<hbm>> -> memref<96x256xf32, #tpu.memory_space<hbm>>
    %dma_start3A_106 = arith.constant 0 : i32
    %dma_start3A_107 = arith.constant 0 : i32
    %dma_start3A_108 = tpu.memref_slice %arg6[%dma_start3A_97, %dma_start3A_106, %dma_start3A_107] : memref<2x96x256xf32, #tpu.memory_space<vmem>> -> memref<1x96x256xf32, #tpu.memory_space<vmem>>
    %dma_start3A_109 = tpu.memref_squeeze %dma_start3A_108 : memref<1x96x256xf32, #tpu.memory_space<vmem>> -> memref<96x256xf32, #tpu.memory_space<vmem>>
    tpu.enqueue_dma source(%dma_start3A_109 : memref<96x256xf32, #tpu.memory_space<vmem>>) target(%dma_start3A_105 : memref<96x256xf32, #tpu.memory_space<hbm>>) target_semaphore(%arg10 : memref<!tpu.dma_semaphore, #tpu.memory_space<semaphore_mem>>)
    %add3A_110 = arith.constant 288 : i32
    %add3A_111 = arith.addi %mul3A_2, %add3A_110 : i32
    %dma_wait3A_112 = arith.constant 1 : i32
    %dma_wait3A_113 = arith.constant 0 : i32
    %dma_wait3A_114 = arith.constant 0 : i32
    %dma_wait3A_115 = tpu.memref_slice %arg6[%dma_wait3A_112, %dma_wait3A_113, %dma_wait3A_114] : memref<2x96x256xf32, #tpu.memory_space<vmem>> -> memref<1x96x256xf32, #tpu.memory_space<vmem>>
    %dma_wait3A_116 = tpu.memref_squeeze %dma_wait3A_115 : memref<1x96x256xf32, #tpu.memory_space<vmem>> -> memref<96x256xf32, #tpu.memory_space<vmem>>
    %dma_wait3A_117 = arith.constant 0 : i32
    %dma_wait3A_118 = tpu.memref_slice %arg4[%add3A_96, %dma_wait3A_117] : memref<18432x256xf32, #tpu.memory_space<hbm>> -> memref<96x256xf32, #tpu.memory_space<hbm>>
    %dma_wait3A_119 = arith.constant 0 : i32
    %dma_wait3A_120 = tpu.memref_slice %arg4[%add3A_96, %dma_wait3A_119] : memref<18432x256xf32, #tpu.memory_space<hbm>> -> memref<96x256xf32, #tpu.memory_space<hbm>>
    %dma_wait3A_121 = arith.constant 0 : i32
    %dma_wait3A_122 = arith.constant 0 : i32
    %dma_wait3A_123 = tpu.memref_slice %arg6[%dma_wait3A_112, %dma_wait3A_121, %dma_wait3A_122] : memref<2x96x256xf32, #tpu.memory_space<vmem>> -> memref<1x96x256xf32, #tpu.memory_space<vmem>>
    %dma_wait3A_124 = tpu.memref_squeeze %dma_wait3A_123 : memref<1x96x256xf32, #tpu.memory_space<vmem>> -> memref<96x256xf32, #tpu.memory_space<vmem>>
    tpu.wait_dma2 semaphore(%arg10 : memref<!tpu.dma_semaphore, #tpu.memory_space<semaphore_mem>>) src(%dma_wait3A_124 : memref<96x256xf32, #tpu.memory_space<vmem>>) dst(%dma_wait3A_120 : memref<96x256xf32, #tpu.memory_space<hbm>>)
    %run_scoped3A_125 = arith.constant 1 : i32
    "tpu.region"() ({
      %run_scoped3A_328 = tpu.sem_alloc : memref<!tpu.dma_semaphore, #tpu.memory_space<semaphore_mem>>
      %dma_start3A_329 = arith.constant 0 : i32
      %dma_start3A_330 = tpu.memref_slice %arg5[%run_scoped3A_125, %dma_start3A_329] : memref<2x96xi32, #tpu.memory_space<vmem>> -> memref<1x96xi32, #tpu.memory_space<vmem>>
      %dma_start3A_331 = tpu.memref_squeeze %dma_start3A_330 : memref<1x96xi32, #tpu.memory_space<vmem>> -> memref<96xi32, #tpu.memory_space<vmem>>
      %dma_start3A_332 = tpu.memref_slice %arg2[%add3A_111] : memref<18432xi32, #tpu.memory_space<hbm>> -> memref<96xi32, #tpu.memory_space<hbm>>
      %dma_start3A_333 = arith.constant 0 : i32
      %dma_start3A_334 = tpu.memref_slice %arg5[%run_scoped3A_125, %dma_start3A_333] : memref<2x96xi32, #tpu.memory_space<vmem>> -> memref<1x96xi32, #tpu.memory_space<vmem>>
      %dma_start3A_335 = tpu.memref_squeeze %dma_start3A_334 : memref<1x96xi32, #tpu.memory_space<vmem>> -> memref<96xi32, #tpu.memory_space<vmem>>
      %dma_start3A_336 = tpu.memref_slice %arg2[%add3A_111] : memref<18432xi32, #tpu.memory_space<hbm>> -> memref<96xi32, #tpu.memory_space<hbm>>
      tpu.enqueue_dma source(%dma_start3A_336 : memref<96xi32, #tpu.memory_space<hbm>>) target(%dma_start3A_335 : memref<96xi32, #tpu.memory_space<vmem>>) target_semaphore(%run_scoped3A_328 : memref<!tpu.dma_semaphore, #tpu.memory_space<semaphore_mem>>)
      %dma_wait3A_337 = arith.constant 0 : i32
      %dma_wait3A_338 = tpu.memref_slice %arg5[%run_scoped3A_125, %dma_wait3A_337] : memref<2x96xi32, #tpu.memory_space<vmem>> -> memref<1x96xi32, #tpu.memory_space<vmem>>
      %dma_wait3A_339 = tpu.memref_squeeze %dma_wait3A_338 : memref<1x96xi32, #tpu.memory_space<vmem>> -> memref<96xi32, #tpu.memory_space<vmem>>
      %dma_wait3A_340 = tpu.memref_slice %arg2[%add3A_111] : memref<18432xi32, #tpu.memory_space<hbm>> -> memref<96xi32, #tpu.memory_space<hbm>>
      %dma_wait3A_341 = arith.constant 0 : i32
      %dma_wait3A_342 = tpu.memref_slice %arg5[%run_scoped3A_125, %dma_wait3A_341] : memref<2x96xi32, #tpu.memory_space<vmem>> -> memref<1x96xi32, #tpu.memory_space<vmem>>
      %dma_wait3A_343 = tpu.memref_squeeze %dma_wait3A_342 : memref<1x96xi32, #tpu.memory_space<vmem>> -> memref<96xi32, #tpu.memory_space<vmem>>
      %dma_wait3A_344 = tpu.memref_slice %arg2[%add3A_111] : memref<18432xi32, #tpu.memory_space<hbm>> -> memref<96xi32, #tpu.memory_space<hbm>>
      tpu.wait_dma2 semaphore(%run_scoped3A_328 : memref<!tpu.dma_semaphore, #tpu.memory_space<semaphore_mem>>) src(%dma_wait3A_344 : memref<96xi32, #tpu.memory_space<hbm>>) dst(%dma_wait3A_343 : memref<96xi32, #tpu.memory_space<vmem>>)
      tpu.yield
    }) : () -> ()
    %dma_start3A_126 = arith.constant 1 : i32
    %dma_start3A_127 = arith.constant 1 : i32
    %dma_start3A_128 = arith.constant 0 : i32
    %dma_start3A_129 = arith.constant 0 : i32
    %dma_start3A_130 = tpu.memref_slice %arg6[%dma_start3A_127, %dma_start3A_128, %dma_start3A_129] : memref<2x96x256xf32, #tpu.memory_space<vmem>> -> memref<1x96x256xf32, #tpu.memory_space<vmem>>
    %dma_start3A_131 = tpu.memref_squeeze %dma_start3A_130 : memref<1x96x256xf32, #tpu.memory_space<vmem>> -> memref<96x256xf32, #tpu.memory_space<vmem>>
    %dma_start3A_132 = arith.constant 0 : i32
    %dma_start3A_133 = tpu.memref_slice %arg5[%dma_start3A_126, %dma_start3A_132] : memref<2x96xi32, #tpu.memory_space<vmem>> -> memref<1x96xi32, #tpu.memory_space<vmem>>
    %dma_start3A_134 = tpu.memref_squeeze %dma_start3A_133 : memref<1x96xi32, #tpu.memory_space<vmem>> -> memref<96xi32, #tpu.memory_space<vmem>>
    %dma_start3A_135 = arith.constant 0 : i32
    %dma_start3A_136 = arith.constant 0 : i32
    %dma_start3A_137 = tpu.memref_slice %arg3[%dma_start3A_135, %dma_start3A_136] : memref<8192x256xf32, #tpu.memory_space<hbm>> -> memref<8192x256xf32, #tpu.memory_space<hbm>>
    tpu.enqueue_indirect_dma source(%dma_start3A_137 : memref<8192x256xf32, #tpu.memory_space<hbm>>) target(%dma_start3A_131 : memref<96x256xf32, #tpu.memory_space<vmem>>) offsets(%dma_start3A_134 : memref<96xi32, #tpu.memory_space<vmem>>) semaphore(%arg8 : memref<!tpu.dma_semaphore, #tpu.memory_space<semaphore_mem>>)
    %dma_wait3A_138 = arith.constant 0 : i32
    %dma_wait3A_139 = arith.constant 0 : i32
    %dma_wait3A_140 = arith.constant 0 : i32
    %dma_wait3A_141 = arith.constant 0 : i32
    %dma_wait3A_142 = tpu.memref_slice %arg6[%dma_wait3A_139, %dma_wait3A_140, %dma_wait3A_141] : memref<2x96x256xf32, #tpu.memory_space<vmem>> -> memref<1x96x256xf32, #tpu.memory_space<vmem>>
    %dma_wait3A_143 = tpu.memref_squeeze %dma_wait3A_142 : memref<1x96x256xf32, #tpu.memory_space<vmem>> -> memref<96x256xf32, #tpu.memory_space<vmem>>
    %dma_wait3A_144 = arith.constant 0 : i32
    %dma_wait3A_145 = tpu.memref_slice %arg5[%dma_wait3A_138, %dma_wait3A_144] : memref<2x96xi32, #tpu.memory_space<vmem>> -> memref<1x96xi32, #tpu.memory_space<vmem>>
    %dma_wait3A_146 = tpu.memref_squeeze %dma_wait3A_145 : memref<1x96xi32, #tpu.memory_space<vmem>> -> memref<96xi32, #tpu.memory_space<vmem>>
    %dma_wait3A_147 = arith.constant 0 : i32
    %dma_wait3A_148 = arith.constant 0 : i32
    %dma_wait3A_149 = tpu.memref_slice %arg3[%dma_wait3A_147, %dma_wait3A_148] : memref<8192x256xf32, #tpu.memory_space<hbm>> -> memref<8192x256xf32, #tpu.memory_space<hbm>>
    tpu.wait_indirect_dma semaphore(%arg7 : memref<!tpu.dma_semaphore, #tpu.memory_space<semaphore_mem>>) src(%dma_wait3A_149 : memref<8192x256xf32, #tpu.memory_space<hbm>>) dst(%dma_wait3A_143 : memref<96x256xf32, #tpu.memory_space<vmem>>)
    %add3A_150 = arith.constant 192 : i32
    %add3A_151 = arith.addi %mul3A_2, %add3A_150 : i32
    %dma_start3A_152 = arith.constant 0 : i32
    %dma_start3A_153 = arith.constant 0 : i32
    %dma_start3A_154 = arith.constant 0 : i32
    %dma_start3A_155 = tpu.memref_slice %arg6[%dma_start3A_152, %dma_start3A_153, %dma_start3A_154] : memref<2x96x256xf32, #tpu.memory_space<vmem>> -> memref<1x96x256xf32, #tpu.memory_space<vmem>>
    %dma_start3A_156 = tpu.memref_squeeze %dma_start3A_155 : memref<1x96x256xf32, #tpu.memory_space<vmem>> -> memref<96x256xf32, #tpu.memory_space<vmem>>
    %dma_start3A_157 = arith.constant 0 : i32
    %dma_start3A_158 = tpu.memref_slice %arg4[%add3A_151, %dma_start3A_157] : memref<18432x256xf32, #tpu.memory_space<hbm>> -> memref<96x256xf32, #tpu.memory_space<hbm>>
    %dma_start3A_159 = arith.constant 0 : i32
    %dma_start3A_160 = tpu.memref_slice %arg4[%add3A_151, %dma_start3A_159] : memref<18432x256xf32, #tpu.memory_space<hbm>> -> memref<96x256xf32, #tpu.memory_space<hbm>>
    %dma_start3A_161 = arith.constant 0 : i32
    %dma_start3A_162 = arith.constant 0 : i32
    %dma_start3A_163 = tpu.memref_slice %arg6[%dma_start3A_152, %dma_start3A_161, %dma_start3A_162] : memref<2x96x256xf32, #tpu.memory_space<vmem>> -> memref<1x96x256xf32, #tpu.memory_space<vmem>>
    %dma_start3A_164 = tpu.memref_squeeze %dma_start3A_163 : memref<1x96x256xf32, #tpu.memory_space<vmem>> -> memref<96x256xf32, #tpu.memory_space<vmem>>
    tpu.enqueue_dma source(%dma_start3A_164 : memref<96x256xf32, #tpu.memory_space<vmem>>) target(%dma_start3A_160 : memref<96x256xf32, #tpu.memory_space<hbm>>) target_semaphore(%arg9 : memref<!tpu.dma_semaphore, #tpu.memory_space<semaphore_mem>>)
    %add3A_165 = arith.constant 384 : i32
    %add3A_166 = arith.addi %mul3A_2, %add3A_165 : i32
    %dma_wait3A_167 = arith.constant 0 : i32
    %dma_wait3A_168 = arith.constant 0 : i32
    %dma_wait3A_169 = arith.constant 0 : i32
    %dma_wait3A_170 = tpu.memref_slice %arg6[%dma_wait3A_167, %dma_wait3A_168, %dma_wait3A_169] : memref<2x96x256xf32, #tpu.memory_space<vmem>> -> memref<1x96x256xf32, #tpu.memory_space<vmem>>
    %dma_wait3A_171 = tpu.memref_squeeze %dma_wait3A_170 : memref<1x96x256xf32, #tpu.memory_space<vmem>> -> memref<96x256xf32, #tpu.memory_space<vmem>>
    %dma_wait3A_172 = arith.constant 0 : i32
    %dma_wait3A_173 = tpu.memref_slice %arg4[%add3A_151, %dma_wait3A_172] : memref<18432x256xf32, #tpu.memory_space<hbm>> -> memref<96x256xf32, #tpu.memory_space<hbm>>
    %dma_wait3A_174 = arith.constant 0 : i32
    %dma_wait3A_175 = tpu.memref_slice %arg4[%add3A_151, %dma_wait3A_174] : memref<18432x256xf32, #tpu.memory_space<hbm>> -> memref<96x256xf32, #tpu.memory_space<hbm>>
    %dma_wait3A_176 = arith.constant 0 : i32
    %dma_wait3A_177 = arith.constant 0 : i32
    %dma_wait3A_178 = tpu.memref_slice %arg6[%dma_wait3A_167, %dma_wait3A_176, %dma_wait3A_177] : memref<2x96x256xf32, #tpu.memory_space<vmem>> -> memref<1x96x256xf32, #tpu.memory_space<vmem>>
    %dma_wait3A_179 = tpu.memref_squeeze %dma_wait3A_178 : memref<1x96x256xf32, #tpu.memory_space<vmem>> -> memref<96x256xf32, #tpu.memory_space<vmem>>
    tpu.wait_dma2 semaphore(%arg9 : memref<!tpu.dma_semaphore, #tpu.memory_space<semaphore_mem>>) src(%dma_wait3A_179 : memref<96x256xf32, #tpu.memory_space<vmem>>) dst(%dma_wait3A_175 : memref<96x256xf32, #tpu.memory_space<hbm>>)
    %run_scoped3A_180 = arith.constant 0 : i32
    "tpu.region"() ({
      %run_scoped3A_328 = tpu.sem_alloc : memref<!tpu.dma_semaphore, #tpu.memory_space<semaphore_mem>>
      %dma_start3A_329 = arith.constant 0 : i32
      %dma_start3A_330 = tpu.memref_slice %arg5[%run_scoped3A_180, %dma_start3A_329] : memref<2x96xi32, #tpu.memory_space<vmem>> -> memref<1x96xi32, #tpu.memory_space<vmem>>
      %dma_start3A_331 = tpu.memref_squeeze %dma_start3A_330 : memref<1x96xi32, #tpu.memory_space<vmem>> -> memref<96xi32, #tpu.memory_space<vmem>>
      %dma_start3A_332 = tpu.memref_slice %arg2[%add3A_166] : memref<18432xi32, #tpu.memory_space<hbm>> -> memref<96xi32, #tpu.memory_space<hbm>>
      %dma_start3A_333 = arith.constant 0 : i32
      %dma_start3A_334 = tpu.memref_slice %arg5[%run_scoped3A_180, %dma_start3A_333] : memref<2x96xi32, #tpu.memory_space<vmem>> -> memref<1x96xi32, #tpu.memory_space<vmem>>
      %dma_start3A_335 = tpu.memref_squeeze %dma_start3A_334 : memref<1x96xi32, #tpu.memory_space<vmem>> -> memref<96xi32, #tpu.memory_space<vmem>>
      %dma_start3A_336 = tpu.memref_slice %arg2[%add3A_166] : memref<18432xi32, #tpu.memory_space<hbm>> -> memref<96xi32, #tpu.memory_space<hbm>>
      tpu.enqueue_dma source(%dma_start3A_336 : memref<96xi32, #tpu.memory_space<hbm>>) target(%dma_start3A_335 : memref<96xi32, #tpu.memory_space<vmem>>) target_semaphore(%run_scoped3A_328 : memref<!tpu.dma_semaphore, #tpu.memory_space<semaphore_mem>>)
      %dma_wait3A_337 = arith.constant 0 : i32
      %dma_wait3A_338 = tpu.memref_slice %arg5[%run_scoped3A_180, %dma_wait3A_337] : memref<2x96xi32, #tpu.memory_space<vmem>> -> memref<1x96xi32, #tpu.memory_space<vmem>>
      %dma_wait3A_339 = tpu.memref_squeeze %dma_wait3A_338 : memref<1x96xi32, #tpu.memory_space<vmem>> -> memref<96xi32, #tpu.memory_space<vmem>>
      %dma_wait3A_340 = tpu.memref_slice %arg2[%add3A_166] : memref<18432xi32, #tpu.memory_space<hbm>> -> memref<96xi32, #tpu.memory_space<hbm>>
      %dma_wait3A_341 = arith.constant 0 : i32
      %dma_wait3A_342 = tpu.memref_slice %arg5[%run_scoped3A_180, %dma_wait3A_341] : memref<2x96xi32, #tpu.memory_space<vmem>> -> memref<1x96xi32, #tpu.memory_space<vmem>>
      %dma_wait3A_343 = tpu.memref_squeeze %dma_wait3A_342 : memref<1x96xi32, #tpu.memory_space<vmem>> -> memref<96xi32, #tpu.memory_space<vmem>>
      %dma_wait3A_344 = tpu.memref_slice %arg2[%add3A_166] : memref<18432xi32, #tpu.memory_space<hbm>> -> memref<96xi32, #tpu.memory_space<hbm>>
      tpu.wait_dma2 semaphore(%run_scoped3A_328 : memref<!tpu.dma_semaphore, #tpu.memory_space<semaphore_mem>>) src(%dma_wait3A_344 : memref<96xi32, #tpu.memory_space<hbm>>) dst(%dma_wait3A_343 : memref<96xi32, #tpu.memory_space<vmem>>)
      tpu.yield
    }) : () -> ()
    %dma_start3A_181 = arith.constant 0 : i32
    %dma_start3A_182 = arith.constant 0 : i32
    %dma_start3A_183 = arith.constant 0 : i32
    %dma_start3A_184 = arith.constant 0 : i32
    %dma_start3A_185 = tpu.memref_slice %arg6[%dma_start3A_182, %dma_start3A_183, %dma_start3A_184] : memref<2x96x256xf32, #tpu.memory_space<vmem>> -> memref<1x96x256xf32, #tpu.memory_space<vmem>>
    %dma_start3A_186 = tpu.memref_squeeze %dma_start3A_185 : memref<1x96x256xf32, #tpu.memory_space<vmem>> -> memref<96x256xf32, #tpu.memory_space<vmem>>
    %dma_start3A_187 = arith.constant 0 : i32
    %dma_start3A_188 = tpu.memref_slice %arg5[%dma_start3A_181, %dma_start3A_187] : memref<2x96xi32, #tpu.memory_space<vmem>> -> memref<1x96xi32, #tpu.memory_space<vmem>>
    %dma_start3A_189 = tpu.memref_squeeze %dma_start3A_188 : memref<1x96xi32, #tpu.memory_space<vmem>> -> memref<96xi32, #tpu.memory_space<vmem>>
    %dma_start3A_190 = arith.constant 0 : i32
    %dma_start3A_191 = arith.constant 0 : i32
    %dma_start3A_192 = tpu.memref_slice %arg3[%dma_start3A_190, %dma_start3A_191] : memref<8192x256xf32, #tpu.memory_space<hbm>> -> memref<8192x256xf32, #tpu.memory_space<hbm>>
    tpu.enqueue_indirect_dma source(%dma_start3A_192 : memref<8192x256xf32, #tpu.memory_space<hbm>>) target(%dma_start3A_186 : memref<96x256xf32, #tpu.memory_space<vmem>>) offsets(%dma_start3A_189 : memref<96xi32, #tpu.memory_space<vmem>>) semaphore(%arg7 : memref<!tpu.dma_semaphore, #tpu.memory_space<semaphore_mem>>)
    %dma_wait3A_193 = arith.constant 1 : i32
    %dma_wait3A_194 = arith.constant 1 : i32
    %dma_wait3A_195 = arith.constant 0 : i32
    %dma_wait3A_196 = arith.constant 0 : i32
    %dma_wait3A_197 = tpu.memref_slice %arg6[%dma_wait3A_194, %dma_wait3A_195, %dma_wait3A_196] : memref<2x96x256xf32, #tpu.memory_space<vmem>> -> memref<1x96x256xf32, #tpu.memory_space<vmem>>
    %dma_wait3A_198 = tpu.memref_squeeze %dma_wait3A_197 : memref<1x96x256xf32, #tpu.memory_space<vmem>> -> memref<96x256xf32, #tpu.memory_space<vmem>>
    %dma_wait3A_199 = arith.constant 0 : i32
    %dma_wait3A_200 = tpu.memref_slice %arg5[%dma_wait3A_193, %dma_wait3A_199] : memref<2x96xi32, #tpu.memory_space<vmem>> -> memref<1x96xi32, #tpu.memory_space<vmem>>
    %dma_wait3A_201 = tpu.memref_squeeze %dma_wait3A_200 : memref<1x96xi32, #tpu.memory_space<vmem>> -> memref<96xi32, #tpu.memory_space<vmem>>
    %dma_wait3A_202 = arith.constant 0 : i32
    %dma_wait3A_203 = arith.constant 0 : i32
    %dma_wait3A_204 = tpu.memref_slice %arg3[%dma_wait3A_202, %dma_wait3A_203] : memref<8192x256xf32, #tpu.memory_space<hbm>> -> memref<8192x256xf32, #tpu.memory_space<hbm>>
    tpu.wait_indirect_dma semaphore(%arg8 : memref<!tpu.dma_semaphore, #tpu.memory_space<semaphore_mem>>) src(%dma_wait3A_204 : memref<8192x256xf32, #tpu.memory_space<hbm>>) dst(%dma_wait3A_198 : memref<96x256xf32, #tpu.memory_space<vmem>>)
    %add3A_205 = arith.constant 288 : i32
    %add3A_206 = arith.addi %mul3A_2, %add3A_205 : i32
    %dma_start3A_207 = arith.constant 1 : i32
    %dma_start3A_208 = arith.constant 0 : i32
    %dma_start3A_209 = arith.constant 0 : i32
    %dma_start3A_210 = tpu.memref_slice %arg6[%dma_start3A_207, %dma_start3A_208, %dma_start3A_209] : memref<2x96x256xf32, #tpu.memory_space<vmem>> -> memref<1x96x256xf32, #tpu.memory_space<vmem>>
    %dma_start3A_211 = tpu.memref_squeeze %dma_start3A_210 : memref<1x96x256xf32, #tpu.memory_space<vmem>> -> memref<96x256xf32, #tpu.memory_space<vmem>>
    %dma_start3A_212 = arith.constant 0 : i32
    %dma_start3A_213 = tpu.memref_slice %arg4[%add3A_206, %dma_start3A_212] : memref<18432x256xf32, #tpu.memory_space<hbm>> -> memref<96x256xf32, #tpu.memory_space<hbm>>
    %dma_start3A_214 = arith.constant 0 : i32
    %dma_start3A_215 = tpu.memref_slice %arg4[%add3A_206, %dma_start3A_214] : memref<18432x256xf32, #tpu.memory_space<hbm>> -> memref<96x256xf32, #tpu.memory_space<hbm>>
    %dma_start3A_216 = arith.constant 0 : i32
    %dma_start3A_217 = arith.constant 0 : i32
    %dma_start3A_218 = tpu.memref_slice %arg6[%dma_start3A_207, %dma_start3A_216, %dma_start3A_217] : memref<2x96x256xf32, #tpu.memory_space<vmem>> -> memref<1x96x256xf32, #tpu.memory_space<vmem>>
    %dma_start3A_219 = tpu.memref_squeeze %dma_start3A_218 : memref<1x96x256xf32, #tpu.memory_space<vmem>> -> memref<96x256xf32, #tpu.memory_space<vmem>>
    tpu.enqueue_dma source(%dma_start3A_219 : memref<96x256xf32, #tpu.memory_space<vmem>>) target(%dma_start3A_215 : memref<96x256xf32, #tpu.memory_space<hbm>>) target_semaphore(%arg10 : memref<!tpu.dma_semaphore, #tpu.memory_space<semaphore_mem>>)
    %add3A_220 = arith.constant 480 : i32
    %add3A_221 = arith.addi %mul3A_2, %add3A_220 : i32
    %dma_wait3A_222 = arith.constant 1 : i32
    %dma_wait3A_223 = arith.constant 0 : i32
    %dma_wait3A_224 = arith.constant 0 : i32
    %dma_wait3A_225 = tpu.memref_slice %arg6[%dma_wait3A_222, %dma_wait3A_223, %dma_wait3A_224] : memref<2x96x256xf32, #tpu.memory_space<vmem>> -> memref<1x96x256xf32, #tpu.memory_space<vmem>>
    %dma_wait3A_226 = tpu.memref_squeeze %dma_wait3A_225 : memref<1x96x256xf32, #tpu.memory_space<vmem>> -> memref<96x256xf32, #tpu.memory_space<vmem>>
    %dma_wait3A_227 = arith.constant 0 : i32
    %dma_wait3A_228 = tpu.memref_slice %arg4[%add3A_206, %dma_wait3A_227] : memref<18432x256xf32, #tpu.memory_space<hbm>> -> memref<96x256xf32, #tpu.memory_space<hbm>>
    %dma_wait3A_229 = arith.constant 0 : i32
    %dma_wait3A_230 = tpu.memref_slice %arg4[%add3A_206, %dma_wait3A_229] : memref<18432x256xf32, #tpu.memory_space<hbm>> -> memref<96x256xf32, #tpu.memory_space<hbm>>
    %dma_wait3A_231 = arith.constant 0 : i32
    %dma_wait3A_232 = arith.constant 0 : i32
    %dma_wait3A_233 = tpu.memref_slice %arg6[%dma_wait3A_222, %dma_wait3A_231, %dma_wait3A_232] : memref<2x96x256xf32, #tpu.memory_space<vmem>> -> memref<1x96x256xf32, #tpu.memory_space<vmem>>
    %dma_wait3A_234 = tpu.memref_squeeze %dma_wait3A_233 : memref<1x96x256xf32, #tpu.memory_space<vmem>> -> memref<96x256xf32, #tpu.memory_space<vmem>>
    tpu.wait_dma2 semaphore(%arg10 : memref<!tpu.dma_semaphore, #tpu.memory_space<semaphore_mem>>) src(%dma_wait3A_234 : memref<96x256xf32, #tpu.memory_space<vmem>>) dst(%dma_wait3A_230 : memref<96x256xf32, #tpu.memory_space<hbm>>)
    %run_scoped3A_235 = arith.constant 1 : i32
    "tpu.region"() ({
      %run_scoped3A_328 = tpu.sem_alloc : memref<!tpu.dma_semaphore, #tpu.memory_space<semaphore_mem>>
      %dma_start3A_329 = arith.constant 0 : i32
      %dma_start3A_330 = tpu.memref_slice %arg5[%run_scoped3A_235, %dma_start3A_329] : memref<2x96xi32, #tpu.memory_space<vmem>> -> memref<1x96xi32, #tpu.memory_space<vmem>>
      %dma_start3A_331 = tpu.memref_squeeze %dma_start3A_330 : memref<1x96xi32, #tpu.memory_space<vmem>> -> memref<96xi32, #tpu.memory_space<vmem>>
      %dma_start3A_332 = tpu.memref_slice %arg2[%add3A_221] : memref<18432xi32, #tpu.memory_space<hbm>> -> memref<96xi32, #tpu.memory_space<hbm>>
      %dma_start3A_333 = arith.constant 0 : i32
      %dma_start3A_334 = tpu.memref_slice %arg5[%run_scoped3A_235, %dma_start3A_333] : memref<2x96xi32, #tpu.memory_space<vmem>> -> memref<1x96xi32, #tpu.memory_space<vmem>>
      %dma_start3A_335 = tpu.memref_squeeze %dma_start3A_334 : memref<1x96xi32, #tpu.memory_space<vmem>> -> memref<96xi32, #tpu.memory_space<vmem>>
      %dma_start3A_336 = tpu.memref_slice %arg2[%add3A_221] : memref<18432xi32, #tpu.memory_space<hbm>> -> memref<96xi32, #tpu.memory_space<hbm>>
      tpu.enqueue_dma source(%dma_start3A_336 : memref<96xi32, #tpu.memory_space<hbm>>) target(%dma_start3A_335 : memref<96xi32, #tpu.memory_space<vmem>>) target_semaphore(%run_scoped3A_328 : memref<!tpu.dma_semaphore, #tpu.memory_space<semaphore_mem>>)
      %dma_wait3A_337 = arith.constant 0 : i32
      %dma_wait3A_338 = tpu.memref_slice %arg5[%run_scoped3A_235, %dma_wait3A_337] : memref<2x96xi32, #tpu.memory_space<vmem>> -> memref<1x96xi32, #tpu.memory_space<vmem>>
      %dma_wait3A_339 = tpu.memref_squeeze %dma_wait3A_338 : memref<1x96xi32, #tpu.memory_space<vmem>> -> memref<96xi32, #tpu.memory_space<vmem>>
      %dma_wait3A_340 = tpu.memref_slice %arg2[%add3A_221] : memref<18432xi32, #tpu.memory_space<hbm>> -> memref<96xi32, #tpu.memory_space<hbm>>
      %dma_wait3A_341 = arith.constant 0 : i32
      %dma_wait3A_342 = tpu.memref_slice %arg5[%run_scoped3A_235, %dma_wait3A_341] : memref<2x96xi32, #tpu.memory_space<vmem>> -> memref<1x96xi32, #tpu.memory_space<vmem>>
      %dma_wait3A_343 = tpu.memref_squeeze %dma_wait3A_342 : memref<1x96xi32, #tpu.memory_space<vmem>> -> memref<96xi32, #tpu.memory_space<vmem>>
      %dma_wait3A_344 = tpu.memref_slice %arg2[%add3A_221] : memref<18432xi32, #tpu.memory_space<hbm>> -> memref<96xi32, #tpu.memory_space<hbm>>
      tpu.wait_dma2 semaphore(%run_scoped3A_328 : memref<!tpu.dma_semaphore, #tpu.memory_space<semaphore_mem>>) src(%dma_wait3A_344 : memref<96xi32, #tpu.memory_space<hbm>>) dst(%dma_wait3A_343 : memref<96xi32, #tpu.memory_space<vmem>>)
      tpu.yield
    }) : () -> ()
    %dma_start3A_236 = arith.constant 1 : i32
    %dma_start3A_237 = arith.constant 1 : i32
    %dma_start3A_238 = arith.constant 0 : i32
    %dma_start3A_239 = arith.constant 0 : i32
    %dma_start3A_240 = tpu.memref_slice %arg6[%dma_start3A_237, %dma_start3A_238, %dma_start3A_239] : memref<2x96x256xf32, #tpu.memory_space<vmem>> -> memref<1x96x256xf32, #tpu.memory_space<vmem>>
    %dma_start3A_241 = tpu.memref_squeeze %dma_start3A_240 : memref<1x96x256xf32, #tpu.memory_space<vmem>> -> memref<96x256xf32, #tpu.memory_space<vmem>>
    %dma_start3A_242 = arith.constant 0 : i32
    %dma_start3A_243 = tpu.memref_slice %arg5[%dma_start3A_236, %dma_start3A_242] : memref<2x96xi32, #tpu.memory_space<vmem>> -> memref<1x96xi32, #tpu.memory_space<vmem>>
    %dma_start3A_244 = tpu.memref_squeeze %dma_start3A_243 : memref<1x96xi32, #tpu.memory_space<vmem>> -> memref<96xi32, #tpu.memory_space<vmem>>
    %dma_start3A_245 = arith.constant 0 : i32
    %dma_start3A_246 = arith.constant 0 : i32
    %dma_start3A_247 = tpu.memref_slice %arg3[%dma_start3A_245, %dma_start3A_246] : memref<8192x256xf32, #tpu.memory_space<hbm>> -> memref<8192x256xf32, #tpu.memory_space<hbm>>
    tpu.enqueue_indirect_dma source(%dma_start3A_247 : memref<8192x256xf32, #tpu.memory_space<hbm>>) target(%dma_start3A_241 : memref<96x256xf32, #tpu.memory_space<vmem>>) offsets(%dma_start3A_244 : memref<96xi32, #tpu.memory_space<vmem>>) semaphore(%arg8 : memref<!tpu.dma_semaphore, #tpu.memory_space<semaphore_mem>>)
    %dma_wait3A_248 = arith.constant 0 : i32
    %dma_wait3A_249 = arith.constant 0 : i32
    %dma_wait3A_250 = arith.constant 0 : i32
    %dma_wait3A_251 = arith.constant 0 : i32
    %dma_wait3A_252 = tpu.memref_slice %arg6[%dma_wait3A_249, %dma_wait3A_250, %dma_wait3A_251] : memref<2x96x256xf32, #tpu.memory_space<vmem>> -> memref<1x96x256xf32, #tpu.memory_space<vmem>>
    %dma_wait3A_253 = tpu.memref_squeeze %dma_wait3A_252 : memref<1x96x256xf32, #tpu.memory_space<vmem>> -> memref<96x256xf32, #tpu.memory_space<vmem>>
    %dma_wait3A_254 = arith.constant 0 : i32
    %dma_wait3A_255 = tpu.memref_slice %arg5[%dma_wait3A_248, %dma_wait3A_254] : memref<2x96xi32, #tpu.memory_space<vmem>> -> memref<1x96xi32, #tpu.memory_space<vmem>>
    %dma_wait3A_256 = tpu.memref_squeeze %dma_wait3A_255 : memref<1x96xi32, #tpu.memory_space<vmem>> -> memref<96xi32, #tpu.memory_space<vmem>>
    %dma_wait3A_257 = arith.constant 0 : i32
    %dma_wait3A_258 = arith.constant 0 : i32
    %dma_wait3A_259 = tpu.memref_slice %arg3[%dma_wait3A_257, %dma_wait3A_258] : memref<8192x256xf32, #tpu.memory_space<hbm>> -> memref<8192x256xf32, #tpu.memory_space<hbm>>
    tpu.wait_indirect_dma semaphore(%arg7 : memref<!tpu.dma_semaphore, #tpu.memory_space<semaphore_mem>>) src(%dma_wait3A_259 : memref<8192x256xf32, #tpu.memory_space<hbm>>) dst(%dma_wait3A_253 : memref<96x256xf32, #tpu.memory_space<vmem>>)
    %add3A_260 = arith.constant 384 : i32
    %add3A_261 = arith.addi %mul3A_2, %add3A_260 : i32
    %dma_start3A_262 = arith.constant 0 : i32
    %dma_start3A_263 = arith.constant 0 : i32
    %dma_start3A_264 = arith.constant 0 : i32
    %dma_start3A_265 = tpu.memref_slice %arg6[%dma_start3A_262, %dma_start3A_263, %dma_start3A_264] : memref<2x96x256xf32, #tpu.memory_space<vmem>> -> memref<1x96x256xf32, #tpu.memory_space<vmem>>
    %dma_start3A_266 = tpu.memref_squeeze %dma_start3A_265 : memref<1x96x256xf32, #tpu.memory_space<vmem>> -> memref<96x256xf32, #tpu.memory_space<vmem>>
    %dma_start3A_267 = arith.constant 0 : i32
    %dma_start3A_268 = tpu.memref_slice %arg4[%add3A_261, %dma_start3A_267] : memref<18432x256xf32, #tpu.memory_space<hbm>> -> memref<96x256xf32, #tpu.memory_space<hbm>>
    %dma_start3A_269 = arith.constant 0 : i32
    %dma_start3A_270 = tpu.memref_slice %arg4[%add3A_261, %dma_start3A_269] : memref<18432x256xf32, #tpu.memory_space<hbm>> -> memref<96x256xf32, #tpu.memory_space<hbm>>
    %dma_start3A_271 = arith.constant 0 : i32
    %dma_start3A_272 = arith.constant 0 : i32
    %dma_start3A_273 = tpu.memref_slice %arg6[%dma_start3A_262, %dma_start3A_271, %dma_start3A_272] : memref<2x96x256xf32, #tpu.memory_space<vmem>> -> memref<1x96x256xf32, #tpu.memory_space<vmem>>
    %dma_start3A_274 = tpu.memref_squeeze %dma_start3A_273 : memref<1x96x256xf32, #tpu.memory_space<vmem>> -> memref<96x256xf32, #tpu.memory_space<vmem>>
    tpu.enqueue_dma source(%dma_start3A_274 : memref<96x256xf32, #tpu.memory_space<vmem>>) target(%dma_start3A_270 : memref<96x256xf32, #tpu.memory_space<hbm>>) target_semaphore(%arg9 : memref<!tpu.dma_semaphore, #tpu.memory_space<semaphore_mem>>)
    %dma_wait3A_275 = arith.constant 1 : i32
    %dma_wait3A_276 = arith.constant 1 : i32
    %dma_wait3A_277 = arith.constant 0 : i32
    %dma_wait3A_278 = arith.constant 0 : i32
    %dma_wait3A_279 = tpu.memref_slice %arg6[%dma_wait3A_276, %dma_wait3A_277, %dma_wait3A_278] : memref<2x96x256xf32, #tpu.memory_space<vmem>> -> memref<1x96x256xf32, #tpu.memory_space<vmem>>
    %dma_wait3A_280 = tpu.memref_squeeze %dma_wait3A_279 : memref<1x96x256xf32, #tpu.memory_space<vmem>> -> memref<96x256xf32, #tpu.memory_space<vmem>>
    %dma_wait3A_281 = arith.constant 0 : i32
    %dma_wait3A_282 = tpu.memref_slice %arg5[%dma_wait3A_275, %dma_wait3A_281] : memref<2x96xi32, #tpu.memory_space<vmem>> -> memref<1x96xi32, #tpu.memory_space<vmem>>
    %dma_wait3A_283 = tpu.memref_squeeze %dma_wait3A_282 : memref<1x96xi32, #tpu.memory_space<vmem>> -> memref<96xi32, #tpu.memory_space<vmem>>
    %dma_wait3A_284 = arith.constant 0 : i32
    %dma_wait3A_285 = arith.constant 0 : i32
    %dma_wait3A_286 = tpu.memref_slice %arg3[%dma_wait3A_284, %dma_wait3A_285] : memref<8192x256xf32, #tpu.memory_space<hbm>> -> memref<8192x256xf32, #tpu.memory_space<hbm>>
    tpu.wait_indirect_dma semaphore(%arg8 : memref<!tpu.dma_semaphore, #tpu.memory_space<semaphore_mem>>) src(%dma_wait3A_286 : memref<8192x256xf32, #tpu.memory_space<hbm>>) dst(%dma_wait3A_280 : memref<96x256xf32, #tpu.memory_space<vmem>>)
    %add3A_287 = arith.constant 480 : i32
    %add3A_288 = arith.addi %mul3A_2, %add3A_287 : i32
    %dma_start3A_289 = arith.constant 1 : i32
    %dma_start3A_290 = arith.constant 0 : i32
    %dma_start3A_291 = arith.constant 0 : i32
    %dma_start3A_292 = tpu.memref_slice %arg6[%dma_start3A_289, %dma_start3A_290, %dma_start3A_291] : memref<2x96x256xf32, #tpu.memory_space<vmem>> -> memref<1x96x256xf32, #tpu.memory_space<vmem>>
    %dma_start3A_293 = tpu.memref_squeeze %dma_start3A_292 : memref<1x96x256xf32, #tpu.memory_space<vmem>> -> memref<96x256xf32, #tpu.memory_space<vmem>>
    %dma_start3A_294 = arith.constant 0 : i32
    %dma_start3A_295 = tpu.memref_slice %arg4[%add3A_288, %dma_start3A_294] : memref<18432x256xf32, #tpu.memory_space<hbm>> -> memref<96x256xf32, #tpu.memory_space<hbm>>
    %dma_start3A_296 = arith.constant 0 : i32
    %dma_start3A_297 = tpu.memref_slice %arg4[%add3A_288, %dma_start3A_296] : memref<18432x256xf32, #tpu.memory_space<hbm>> -> memref<96x256xf32, #tpu.memory_space<hbm>>
    %dma_start3A_298 = arith.constant 0 : i32
    %dma_start3A_299 = arith.constant 0 : i32
    %dma_start3A_300 = tpu.memref_slice %arg6[%dma_start3A_289, %dma_start3A_298, %dma_start3A_299] : memref<2x96x256xf32, #tpu.memory_space<vmem>> -> memref<1x96x256xf32, #tpu.memory_space<vmem>>
    %dma_start3A_301 = tpu.memref_squeeze %dma_start3A_300 : memref<1x96x256xf32, #tpu.memory_space<vmem>> -> memref<96x256xf32, #tpu.memory_space<vmem>>
    tpu.enqueue_dma source(%dma_start3A_301 : memref<96x256xf32, #tpu.memory_space<vmem>>) target(%dma_start3A_297 : memref<96x256xf32, #tpu.memory_space<hbm>>) target_semaphore(%arg10 : memref<!tpu.dma_semaphore, #tpu.memory_space<semaphore_mem>>)
    %dma_wait3A_302 = arith.constant 1 : i32
    %dma_wait3A_303 = arith.constant 0 : i32
    %dma_wait3A_304 = arith.constant 0 : i32
    %dma_wait3A_305 = tpu.memref_slice %arg6[%dma_wait3A_302, %dma_wait3A_303, %dma_wait3A_304] : memref<2x96x256xf32, #tpu.memory_space<vmem>> -> memref<1x96x256xf32, #tpu.memory_space<vmem>>
    %dma_wait3A_306 = tpu.memref_squeeze %dma_wait3A_305 : memref<1x96x256xf32, #tpu.memory_space<vmem>> -> memref<96x256xf32, #tpu.memory_space<vmem>>
    %dma_wait3A_307 = arith.constant 0 : i32
    %dma_wait3A_308 = tpu.memref_slice %arg4[%add3A_288, %dma_wait3A_307] : memref<18432x256xf32, #tpu.memory_space<hbm>> -> memref<96x256xf32, #tpu.memory_space<hbm>>
    %dma_wait3A_309 = arith.constant 0 : i32
    %dma_wait3A_310 = tpu.memref_slice %arg4[%add3A_288, %dma_wait3A_309] : memref<18432x256xf32, #tpu.memory_space<hbm>> -> memref<96x256xf32, #tpu.memory_space<hbm>>
    %dma_wait3A_311 = arith.constant 0 : i32
    %dma_wait3A_312 = arith.constant 0 : i32
    %dma_wait3A_313 = tpu.memref_slice %arg6[%dma_wait3A_302, %dma_wait3A_311, %dma_wait3A_312] : memref<2x96x256xf32, #tpu.memory_space<vmem>> -> memref<1x96x256xf32, #tpu.memory_space<vmem>>
    %dma_wait3A_314 = tpu.memref_squeeze %dma_wait3A_313 : memref<1x96x256xf32, #tpu.memory_space<vmem>> -> memref<96x256xf32, #tpu.memory_space<vmem>>
    tpu.wait_dma2 semaphore(%arg10 : memref<!tpu.dma_semaphore, #tpu.memory_space<semaphore_mem>>) src(%dma_wait3A_314 : memref<96x256xf32, #tpu.memory_space<vmem>>) dst(%dma_wait3A_310 : memref<96x256xf32, #tpu.memory_space<hbm>>)
    %dma_wait3A_315 = arith.constant 0 : i32
    %dma_wait3A_316 = arith.constant 0 : i32
    %dma_wait3A_317 = arith.constant 0 : i32
    %dma_wait3A_318 = tpu.memref_slice %arg6[%dma_wait3A_315, %dma_wait3A_316, %dma_wait3A_317] : memref<2x96x256xf32, #tpu.memory_space<vmem>> -> memref<1x96x256xf32, #tpu.memory_space<vmem>>
    %dma_wait3A_319 = tpu.memref_squeeze %dma_wait3A_318 : memref<1x96x256xf32, #tpu.memory_space<vmem>> -> memref<96x256xf32, #tpu.memory_space<vmem>>
    %dma_wait3A_320 = arith.constant 0 : i32
    %dma_wait3A_321 = tpu.memref_slice %arg4[%add3A_261, %dma_wait3A_320] : memref<18432x256xf32, #tpu.memory_space<hbm>> -> memref<96x256xf32, #tpu.memory_space<hbm>>
    %dma_wait3A_322 = arith.constant 0 : i32
    %dma_wait3A_323 = tpu.memref_slice %arg4[%add3A_261, %dma_wait3A_322] : memref<18432x256xf32, #tpu.memory_space<hbm>> -> memref<96x256xf32, #tpu.memory_space<hbm>>
    %dma_wait3A_324 = arith.constant 0 : i32
    %dma_wait3A_325 = arith.constant 0 : i32
    %dma_wait3A_326 = tpu.memref_slice %arg6[%dma_wait3A_315, %dma_wait3A_324, %dma_wait3A_325] : memref<2x96x256xf32, #tpu.memory_space<vmem>> -> memref<1x96x256xf32, #tpu.memory_space<vmem>>
    %dma_wait3A_327 = tpu.memref_squeeze %dma_wait3A_326 : memref<1x96x256xf32, #tpu.memory_space<vmem>> -> memref<96x256xf32, #tpu.memory_space<vmem>>
    tpu.wait_dma2 semaphore(%arg9 : memref<!tpu.dma_semaphore, #tpu.memory_space<semaphore_mem>>) src(%dma_wait3A_327 : memref<96x256xf32, #tpu.memory_space<vmem>>) dst(%dma_wait3A_323 : memref<96x256xf32, #tpu.memory_space<hbm>>)
    return
  }
}

module attributes {stable_mosaic.version = 14 : i64} {
  func.func @_dist_argmin_body(%arg0: i32, %arg1: memref<1024x1xf32, #tpu.memory_space<vmem>>, %arg2: memref<1024x256xf32, #tpu.memory_space<vmem>>, %arg3: memref<256x8448xbf16, #tpu.memory_space<vmem>>, %arg4: memref<1x8448xf32, #tpu.memory_space<vmem>>, %arg5: memref<1024x1xi32, #tpu.memory_space<vmem>>, %arg6: memref<1024x1xf32, #tpu.memory_space<vmem>>) attributes {dimension_semantics = [#tpu.dimension_semantics<arbitrary>], iteration_bounds = array<i64: 18>, scalar_prefetch = 0 : i64, scratch_operands = 0 : i64, tpu.core_type = #tpu.core_type<tc>, window_params = [{transform_indices = @transform_0, window_bounds = array<i64: 1024, 1>}, {transform_indices = @transform_1, window_bounds = array<i64: 1024, 256>}, {pipeline_mode = #tpu.pipeline_mode<synchronous>, transform_indices = @transform_2, window_bounds = array<i64: 256, 8448>}, {pipeline_mode = #tpu.pipeline_mode<synchronous>, transform_indices = @transform_3, window_bounds = array<i64: 1, 8448>}, {transform_indices = @transform_4, window_bounds = array<i64: 1024, 1>}, {transform_indices = @transform_5, window_bounds = array<i64: 1024, 1>}]} {
    %get3A = arith.constant 0 : index
    %get3A_0 = arith.constant 0 : index
    %get3A_1 = vector.load %arg2[%get3A, %get3A_0] : memref<1024x256xf32, #tpu.memory_space<vmem>>, vector<1024x256xf32>
    %mul3A = arith.constant -2.000000e+00 : f32
    %mul3A_2 = vector.broadcast %mul3A : f32 to vector<1024x256xf32>
    %mul3A_3 = arith.mulf %get3A_1, %mul3A_2 : vector<1024x256xf32>
    %convert_element_type3A = arith.truncf %mul3A_3 : vector<1024x256xf32> to vector<1024x256xbf16>
    %get3A_4 = arith.constant 0 : index
    %get3A_5 = arith.constant 0 : index
    %get3A_6 = vector.load %arg1[%get3A_4, %get3A_5] : memref<1024x1xf32, #tpu.memory_space<vmem>>, vector<1024x1xf32>
    %broadcast_in_dim3A = arith.constant 0x7F800000 : f32
    %broadcast_in_dim3A_7 = vector.broadcast %broadcast_in_dim3A : f32 to vector<1024x1xf32>
    %broadcast_in_dim3A_8 = arith.constant 0 : i32
    %broadcast_in_dim3A_9 = vector.broadcast %broadcast_in_dim3A_8 : i32 to vector<1024x1xi32>
    %iota3A = tpu.iota {dimensions = array<i32: 1>} : vector<1024x128xi32>
    %get3A_10 = arith.constant 0 : index
    %get3A_11 = arith.constant 0 : index
    %get3A_12 = vector.load %arg3[%get3A_10, %get3A_11] : memref<256x8448xbf16, #tpu.memory_space<vmem>>, vector<256x2816xbf16>
    %dot_general3A = arith.constant dense<0.000000e+00> : vector<1024x2816xf32>
    %dot_general3A_13 = tpu.matmul %convert_element_type3A, %get3A_12, %dot_general3A {dimension_numbers = #tpu.dot_dimension_numbers<[1], [0], [0], [1], [0, 0, 1, 1], [], []>, transpose_lhs_hint = false} : vector<1024x256xbf16>, vector<256x2816xbf16>, vector<1024x2816xf32> -> vector<1024x2816xf32>
    %broadcast_in_dim3A_14 = arith.constant 0x7F800000 : f32
    %broadcast_in_dim3A_15 = vector.broadcast %broadcast_in_dim3A_14 : f32 to vector<1024x128xf32>
    %broadcast_in_dim3A_16 = arith.constant 0 : i32
    %broadcast_in_dim3A_17 = vector.broadcast %broadcast_in_dim3A_16 : i32 to vector<1024x128xi32>
    %slice3A = vector.extract_strided_slice %dot_general3A_13 {offsets = [0, 0], sizes = [1024, 128], strides = [1, 1]} : vector<1024x2816xf32> to vector<1024x128xf32>
    %add3A = vector.broadcast %get3A_6 : vector<1024x1xf32> to vector<1024x128xf32>
    %add3A_18 = arith.addf %add3A, %slice3A : vector<1024x128xf32>
    %get3A_19 = arith.constant 0 : index
    %get3A_20 = arith.constant 0 : index
    %get3A_21 = vector.load %arg4[%get3A_19, %get3A_20] : memref<1x8448xf32, #tpu.memory_space<vmem>>, vector<1x128xf32>
    %add3A_22 = vector.broadcast %get3A_21 : vector<1x128xf32> to vector<1024x128xf32>
    %add3A_23 = arith.addf %add3A_18, %add3A_22 : vector<1024x128xf32>
    %lt3A = arith.cmpf olt, %add3A_23, %broadcast_in_dim3A_15 : vector<1024x128xf32>
    %select_n3A = arith.select %lt3A, %add3A_23, %broadcast_in_dim3A_15 : vector<1024x128xi1>, vector<1024x128xf32>
    %jit3A = arith.constant 0 : i32
    %broadcast_in_dim3A_24 = vector.broadcast %jit3A : i32 to vector<1024x128xi32>
    %select_n3A_25 = arith.select %lt3A, %broadcast_in_dim3A_24, %broadcast_in_dim3A_17 : vector<1024x128xi1>, vector<1024x128xi32>
    %slice3A_26 = vector.extract_strided_slice %dot_general3A_13 {offsets = [0, 128], sizes = [1024, 128], strides = [1, 1]} : vector<1024x2816xf32> to vector<1024x128xf32>
    %add3A_27 = vector.broadcast %get3A_6 : vector<1024x1xf32> to vector<1024x128xf32>
    %add3A_28 = arith.addf %add3A_27, %slice3A_26 : vector<1024x128xf32>
    %get3A_29 = arith.constant 0 : index
    %get3A_30 = arith.constant 128 : index
    %get3A_31 = vector.load %arg4[%get3A_29, %get3A_30] : memref<1x8448xf32, #tpu.memory_space<vmem>>, vector<1x128xf32>
    %add3A_32 = vector.broadcast %get3A_31 : vector<1x128xf32> to vector<1024x128xf32>
    %add3A_33 = arith.addf %add3A_28, %add3A_32 : vector<1024x128xf32>
    %lt3A_34 = arith.cmpf olt, %add3A_33, %select_n3A : vector<1024x128xf32>
    %select_n3A_35 = arith.select %lt3A_34, %add3A_33, %select_n3A : vector<1024x128xi1>, vector<1024x128xf32>
    %jit3A_36 = arith.constant 1 : i32
    %broadcast_in_dim3A_37 = vector.broadcast %jit3A_36 : i32 to vector<1024x128xi32>
    %select_n3A_38 = arith.select %lt3A_34, %broadcast_in_dim3A_37, %select_n3A_25 : vector<1024x128xi1>, vector<1024x128xi32>
    %slice3A_39 = vector.extract_strided_slice %dot_general3A_13 {offsets = [0, 256], sizes = [1024, 128], strides = [1, 1]} : vector<1024x2816xf32> to vector<1024x128xf32>
    %add3A_40 = vector.broadcast %get3A_6 : vector<1024x1xf32> to vector<1024x128xf32>
    %add3A_41 = arith.addf %add3A_40, %slice3A_39 : vector<1024x128xf32>
    %get3A_42 = arith.constant 0 : index
    %get3A_43 = arith.constant 256 : index
    %get3A_44 = vector.load %arg4[%get3A_42, %get3A_43] : memref<1x8448xf32, #tpu.memory_space<vmem>>, vector<1x128xf32>
    %add3A_45 = vector.broadcast %get3A_44 : vector<1x128xf32> to vector<1024x128xf32>
    %add3A_46 = arith.addf %add3A_41, %add3A_45 : vector<1024x128xf32>
    %lt3A_47 = arith.cmpf olt, %add3A_46, %select_n3A_35 : vector<1024x128xf32>
    %select_n3A_48 = arith.select %lt3A_47, %add3A_46, %select_n3A_35 : vector<1024x128xi1>, vector<1024x128xf32>
    %jit3A_49 = arith.constant 2 : i32
    %broadcast_in_dim3A_50 = vector.broadcast %jit3A_49 : i32 to vector<1024x128xi32>
    %select_n3A_51 = arith.select %lt3A_47, %broadcast_in_dim3A_50, %select_n3A_38 : vector<1024x128xi1>, vector<1024x128xi32>
    %slice3A_52 = vector.extract_strided_slice %dot_general3A_13 {offsets = [0, 384], sizes = [1024, 128], strides = [1, 1]} : vector<1024x2816xf32> to vector<1024x128xf32>
    %add3A_53 = vector.broadcast %get3A_6 : vector<1024x1xf32> to vector<1024x128xf32>
    %add3A_54 = arith.addf %add3A_53, %slice3A_52 : vector<1024x128xf32>
    %get3A_55 = arith.constant 0 : index
    %get3A_56 = arith.constant 384 : index
    %get3A_57 = vector.load %arg4[%get3A_55, %get3A_56] : memref<1x8448xf32, #tpu.memory_space<vmem>>, vector<1x128xf32>
    %add3A_58 = vector.broadcast %get3A_57 : vector<1x128xf32> to vector<1024x128xf32>
    %add3A_59 = arith.addf %add3A_54, %add3A_58 : vector<1024x128xf32>
    %lt3A_60 = arith.cmpf olt, %add3A_59, %select_n3A_48 : vector<1024x128xf32>
    %select_n3A_61 = arith.select %lt3A_60, %add3A_59, %select_n3A_48 : vector<1024x128xi1>, vector<1024x128xf32>
    %jit3A_62 = arith.constant 3 : i32
    %broadcast_in_dim3A_63 = vector.broadcast %jit3A_62 : i32 to vector<1024x128xi32>
    %select_n3A_64 = arith.select %lt3A_60, %broadcast_in_dim3A_63, %select_n3A_51 : vector<1024x128xi1>, vector<1024x128xi32>
    %slice3A_65 = vector.extract_strided_slice %dot_general3A_13 {offsets = [0, 512], sizes = [1024, 128], strides = [1, 1]} : vector<1024x2816xf32> to vector<1024x128xf32>
    %add3A_66 = vector.broadcast %get3A_6 : vector<1024x1xf32> to vector<1024x128xf32>
    %add3A_67 = arith.addf %add3A_66, %slice3A_65 : vector<1024x128xf32>
    %get3A_68 = arith.constant 0 : index
    %get3A_69 = arith.constant 512 : index
    %get3A_70 = vector.load %arg4[%get3A_68, %get3A_69] : memref<1x8448xf32, #tpu.memory_space<vmem>>, vector<1x128xf32>
    %add3A_71 = vector.broadcast %get3A_70 : vector<1x128xf32> to vector<1024x128xf32>
    %add3A_72 = arith.addf %add3A_67, %add3A_71 : vector<1024x128xf32>
    %lt3A_73 = arith.cmpf olt, %add3A_72, %select_n3A_61 : vector<1024x128xf32>
    %select_n3A_74 = arith.select %lt3A_73, %add3A_72, %select_n3A_61 : vector<1024x128xi1>, vector<1024x128xf32>
    %jit3A_75 = arith.constant 4 : i32
    %broadcast_in_dim3A_76 = vector.broadcast %jit3A_75 : i32 to vector<1024x128xi32>
    %select_n3A_77 = arith.select %lt3A_73, %broadcast_in_dim3A_76, %select_n3A_64 : vector<1024x128xi1>, vector<1024x128xi32>
    %slice3A_78 = vector.extract_strided_slice %dot_general3A_13 {offsets = [0, 640], sizes = [1024, 128], strides = [1, 1]} : vector<1024x2816xf32> to vector<1024x128xf32>
    %add3A_79 = vector.broadcast %get3A_6 : vector<1024x1xf32> to vector<1024x128xf32>
    %add3A_80 = arith.addf %add3A_79, %slice3A_78 : vector<1024x128xf32>
    %get3A_81 = arith.constant 0 : index
    %get3A_82 = arith.constant 640 : index
    %get3A_83 = vector.load %arg4[%get3A_81, %get3A_82] : memref<1x8448xf32, #tpu.memory_space<vmem>>, vector<1x128xf32>
    %add3A_84 = vector.broadcast %get3A_83 : vector<1x128xf32> to vector<1024x128xf32>
    %add3A_85 = arith.addf %add3A_80, %add3A_84 : vector<1024x128xf32>
    %lt3A_86 = arith.cmpf olt, %add3A_85, %select_n3A_74 : vector<1024x128xf32>
    %select_n3A_87 = arith.select %lt3A_86, %add3A_85, %select_n3A_74 : vector<1024x128xi1>, vector<1024x128xf32>
    %jit3A_88 = arith.constant 5 : i32
    %broadcast_in_dim3A_89 = vector.broadcast %jit3A_88 : i32 to vector<1024x128xi32>
    %select_n3A_90 = arith.select %lt3A_86, %broadcast_in_dim3A_89, %select_n3A_77 : vector<1024x128xi1>, vector<1024x128xi32>
    %slice3A_91 = vector.extract_strided_slice %dot_general3A_13 {offsets = [0, 768], sizes = [1024, 128], strides = [1, 1]} : vector<1024x2816xf32> to vector<1024x128xf32>
    %add3A_92 = vector.broadcast %get3A_6 : vector<1024x1xf32> to vector<1024x128xf32>
    %add3A_93 = arith.addf %add3A_92, %slice3A_91 : vector<1024x128xf32>
    %get3A_94 = arith.constant 0 : index
    %get3A_95 = arith.constant 768 : index
    %get3A_96 = vector.load %arg4[%get3A_94, %get3A_95] : memref<1x8448xf32, #tpu.memory_space<vmem>>, vector<1x128xf32>
    %add3A_97 = vector.broadcast %get3A_96 : vector<1x128xf32> to vector<1024x128xf32>
    %add3A_98 = arith.addf %add3A_93, %add3A_97 : vector<1024x128xf32>
    %lt3A_99 = arith.cmpf olt, %add3A_98, %select_n3A_87 : vector<1024x128xf32>
    %select_n3A_100 = arith.select %lt3A_99, %add3A_98, %select_n3A_87 : vector<1024x128xi1>, vector<1024x128xf32>
    %jit3A_101 = arith.constant 6 : i32
    %broadcast_in_dim3A_102 = vector.broadcast %jit3A_101 : i32 to vector<1024x128xi32>
    %select_n3A_103 = arith.select %lt3A_99, %broadcast_in_dim3A_102, %select_n3A_90 : vector<1024x128xi1>, vector<1024x128xi32>
    %slice3A_104 = vector.extract_strided_slice %dot_general3A_13 {offsets = [0, 896], sizes = [1024, 128], strides = [1, 1]} : vector<1024x2816xf32> to vector<1024x128xf32>
    %add3A_105 = vector.broadcast %get3A_6 : vector<1024x1xf32> to vector<1024x128xf32>
    %add3A_106 = arith.addf %add3A_105, %slice3A_104 : vector<1024x128xf32>
    %get3A_107 = arith.constant 0 : index
    %get3A_108 = arith.constant 896 : index
    %get3A_109 = vector.load %arg4[%get3A_107, %get3A_108] : memref<1x8448xf32, #tpu.memory_space<vmem>>, vector<1x128xf32>
    %add3A_110 = vector.broadcast %get3A_109 : vector<1x128xf32> to vector<1024x128xf32>
    %add3A_111 = arith.addf %add3A_106, %add3A_110 : vector<1024x128xf32>
    %lt3A_112 = arith.cmpf olt, %add3A_111, %select_n3A_100 : vector<1024x128xf32>
    %select_n3A_113 = arith.select %lt3A_112, %add3A_111, %select_n3A_100 : vector<1024x128xi1>, vector<1024x128xf32>
    %jit3A_114 = arith.constant 7 : i32
    %broadcast_in_dim3A_115 = vector.broadcast %jit3A_114 : i32 to vector<1024x128xi32>
    %select_n3A_116 = arith.select %lt3A_112, %broadcast_in_dim3A_115, %select_n3A_103 : vector<1024x128xi1>, vector<1024x128xi32>
    %slice3A_117 = vector.extract_strided_slice %dot_general3A_13 {offsets = [0, 1024], sizes = [1024, 128], strides = [1, 1]} : vector<1024x2816xf32> to vector<1024x128xf32>
    %add3A_118 = vector.broadcast %get3A_6 : vector<1024x1xf32> to vector<1024x128xf32>
    %add3A_119 = arith.addf %add3A_118, %slice3A_117 : vector<1024x128xf32>
    %get3A_120 = arith.constant 0 : index
    %get3A_121 = arith.constant 1024 : index
    %get3A_122 = vector.load %arg4[%get3A_120, %get3A_121] : memref<1x8448xf32, #tpu.memory_space<vmem>>, vector<1x128xf32>
    %add3A_123 = vector.broadcast %get3A_122 : vector<1x128xf32> to vector<1024x128xf32>
    %add3A_124 = arith.addf %add3A_119, %add3A_123 : vector<1024x128xf32>
    %lt3A_125 = arith.cmpf olt, %add3A_124, %select_n3A_113 : vector<1024x128xf32>
    %select_n3A_126 = arith.select %lt3A_125, %add3A_124, %select_n3A_113 : vector<1024x128xi1>, vector<1024x128xf32>
    %jit3A_127 = arith.constant 8 : i32
    %broadcast_in_dim3A_128 = vector.broadcast %jit3A_127 : i32 to vector<1024x128xi32>
    %select_n3A_129 = arith.select %lt3A_125, %broadcast_in_dim3A_128, %select_n3A_116 : vector<1024x128xi1>, vector<1024x128xi32>
    %slice3A_130 = vector.extract_strided_slice %dot_general3A_13 {offsets = [0, 1152], sizes = [1024, 128], strides = [1, 1]} : vector<1024x2816xf32> to vector<1024x128xf32>
    %add3A_131 = vector.broadcast %get3A_6 : vector<1024x1xf32> to vector<1024x128xf32>
    %add3A_132 = arith.addf %add3A_131, %slice3A_130 : vector<1024x128xf32>
    %get3A_133 = arith.constant 0 : index
    %get3A_134 = arith.constant 1152 : index
    %get3A_135 = vector.load %arg4[%get3A_133, %get3A_134] : memref<1x8448xf32, #tpu.memory_space<vmem>>, vector<1x128xf32>
    %add3A_136 = vector.broadcast %get3A_135 : vector<1x128xf32> to vector<1024x128xf32>
    %add3A_137 = arith.addf %add3A_132, %add3A_136 : vector<1024x128xf32>
    %lt3A_138 = arith.cmpf olt, %add3A_137, %select_n3A_126 : vector<1024x128xf32>
    %select_n3A_139 = arith.select %lt3A_138, %add3A_137, %select_n3A_126 : vector<1024x128xi1>, vector<1024x128xf32>
    %jit3A_140 = arith.constant 9 : i32
    %broadcast_in_dim3A_141 = vector.broadcast %jit3A_140 : i32 to vector<1024x128xi32>
    %select_n3A_142 = arith.select %lt3A_138, %broadcast_in_dim3A_141, %select_n3A_129 : vector<1024x128xi1>, vector<1024x128xi32>
    %slice3A_143 = vector.extract_strided_slice %dot_general3A_13 {offsets = [0, 1280], sizes = [1024, 128], strides = [1, 1]} : vector<1024x2816xf32> to vector<1024x128xf32>
    %add3A_144 = vector.broadcast %get3A_6 : vector<1024x1xf32> to vector<1024x128xf32>
    %add3A_145 = arith.addf %add3A_144, %slice3A_143 : vector<1024x128xf32>
    %get3A_146 = arith.constant 0 : index
    %get3A_147 = arith.constant 1280 : index
    %get3A_148 = vector.load %arg4[%get3A_146, %get3A_147] : memref<1x8448xf32, #tpu.memory_space<vmem>>, vector<1x128xf32>
    %add3A_149 = vector.broadcast %get3A_148 : vector<1x128xf32> to vector<1024x128xf32>
    %add3A_150 = arith.addf %add3A_145, %add3A_149 : vector<1024x128xf32>
    %lt3A_151 = arith.cmpf olt, %add3A_150, %select_n3A_139 : vector<1024x128xf32>
    %select_n3A_152 = arith.select %lt3A_151, %add3A_150, %select_n3A_139 : vector<1024x128xi1>, vector<1024x128xf32>
    %jit3A_153 = arith.constant 10 : i32
    %broadcast_in_dim3A_154 = vector.broadcast %jit3A_153 : i32 to vector<1024x128xi32>
    %select_n3A_155 = arith.select %lt3A_151, %broadcast_in_dim3A_154, %select_n3A_142 : vector<1024x128xi1>, vector<1024x128xi32>
    %slice3A_156 = vector.extract_strided_slice %dot_general3A_13 {offsets = [0, 1408], sizes = [1024, 128], strides = [1, 1]} : vector<1024x2816xf32> to vector<1024x128xf32>
    %add3A_157 = vector.broadcast %get3A_6 : vector<1024x1xf32> to vector<1024x128xf32>
    %add3A_158 = arith.addf %add3A_157, %slice3A_156 : vector<1024x128xf32>
    %get3A_159 = arith.constant 0 : index
    %get3A_160 = arith.constant 1408 : index
    %get3A_161 = vector.load %arg4[%get3A_159, %get3A_160] : memref<1x8448xf32, #tpu.memory_space<vmem>>, vector<1x128xf32>
    %add3A_162 = vector.broadcast %get3A_161 : vector<1x128xf32> to vector<1024x128xf32>
    %add3A_163 = arith.addf %add3A_158, %add3A_162 : vector<1024x128xf32>
    %lt3A_164 = arith.cmpf olt, %add3A_163, %select_n3A_152 : vector<1024x128xf32>
    %select_n3A_165 = arith.select %lt3A_164, %add3A_163, %select_n3A_152 : vector<1024x128xi1>, vector<1024x128xf32>
    %jit3A_166 = arith.constant 11 : i32
    %broadcast_in_dim3A_167 = vector.broadcast %jit3A_166 : i32 to vector<1024x128xi32>
    %select_n3A_168 = arith.select %lt3A_164, %broadcast_in_dim3A_167, %select_n3A_155 : vector<1024x128xi1>, vector<1024x128xi32>
    %slice3A_169 = vector.extract_strided_slice %dot_general3A_13 {offsets = [0, 1536], sizes = [1024, 128], strides = [1, 1]} : vector<1024x2816xf32> to vector<1024x128xf32>
    %add3A_170 = vector.broadcast %get3A_6 : vector<1024x1xf32> to vector<1024x128xf32>
    %add3A_171 = arith.addf %add3A_170, %slice3A_169 : vector<1024x128xf32>
    %get3A_172 = arith.constant 0 : index
    %get3A_173 = arith.constant 1536 : index
    %get3A_174 = vector.load %arg4[%get3A_172, %get3A_173] : memref<1x8448xf32, #tpu.memory_space<vmem>>, vector<1x128xf32>
    %add3A_175 = vector.broadcast %get3A_174 : vector<1x128xf32> to vector<1024x128xf32>
    %add3A_176 = arith.addf %add3A_171, %add3A_175 : vector<1024x128xf32>
    %lt3A_177 = arith.cmpf olt, %add3A_176, %select_n3A_165 : vector<1024x128xf32>
    %select_n3A_178 = arith.select %lt3A_177, %add3A_176, %select_n3A_165 : vector<1024x128xi1>, vector<1024x128xf32>
    %jit3A_179 = arith.constant 12 : i32
    %broadcast_in_dim3A_180 = vector.broadcast %jit3A_179 : i32 to vector<1024x128xi32>
    %select_n3A_181 = arith.select %lt3A_177, %broadcast_in_dim3A_180, %select_n3A_168 : vector<1024x128xi1>, vector<1024x128xi32>
    %slice3A_182 = vector.extract_strided_slice %dot_general3A_13 {offsets = [0, 1664], sizes = [1024, 128], strides = [1, 1]} : vector<1024x2816xf32> to vector<1024x128xf32>
    %add3A_183 = vector.broadcast %get3A_6 : vector<1024x1xf32> to vector<1024x128xf32>
    %add3A_184 = arith.addf %add3A_183, %slice3A_182 : vector<1024x128xf32>
    %get3A_185 = arith.constant 0 : index
    %get3A_186 = arith.constant 1664 : index
    %get3A_187 = vector.load %arg4[%get3A_185, %get3A_186] : memref<1x8448xf32, #tpu.memory_space<vmem>>, vector<1x128xf32>
    %add3A_188 = vector.broadcast %get3A_187 : vector<1x128xf32> to vector<1024x128xf32>
    %add3A_189 = arith.addf %add3A_184, %add3A_188 : vector<1024x128xf32>
    %lt3A_190 = arith.cmpf olt, %add3A_189, %select_n3A_178 : vector<1024x128xf32>
    %select_n3A_191 = arith.select %lt3A_190, %add3A_189, %select_n3A_178 : vector<1024x128xi1>, vector<1024x128xf32>
    %jit3A_192 = arith.constant 13 : i32
    %broadcast_in_dim3A_193 = vector.broadcast %jit3A_192 : i32 to vector<1024x128xi32>
    %select_n3A_194 = arith.select %lt3A_190, %broadcast_in_dim3A_193, %select_n3A_181 : vector<1024x128xi1>, vector<1024x128xi32>
    %slice3A_195 = vector.extract_strided_slice %dot_general3A_13 {offsets = [0, 1792], sizes = [1024, 128], strides = [1, 1]} : vector<1024x2816xf32> to vector<1024x128xf32>
    %add3A_196 = vector.broadcast %get3A_6 : vector<1024x1xf32> to vector<1024x128xf32>
    %add3A_197 = arith.addf %add3A_196, %slice3A_195 : vector<1024x128xf32>
    %get3A_198 = arith.constant 0 : index
    %get3A_199 = arith.constant 1792 : index
    %get3A_200 = vector.load %arg4[%get3A_198, %get3A_199] : memref<1x8448xf32, #tpu.memory_space<vmem>>, vector<1x128xf32>
    %add3A_201 = vector.broadcast %get3A_200 : vector<1x128xf32> to vector<1024x128xf32>
    %add3A_202 = arith.addf %add3A_197, %add3A_201 : vector<1024x128xf32>
    %lt3A_203 = arith.cmpf olt, %add3A_202, %select_n3A_191 : vector<1024x128xf32>
    %select_n3A_204 = arith.select %lt3A_203, %add3A_202, %select_n3A_191 : vector<1024x128xi1>, vector<1024x128xf32>
    %jit3A_205 = arith.constant 14 : i32
    %broadcast_in_dim3A_206 = vector.broadcast %jit3A_205 : i32 to vector<1024x128xi32>
    %select_n3A_207 = arith.select %lt3A_203, %broadcast_in_dim3A_206, %select_n3A_194 : vector<1024x128xi1>, vector<1024x128xi32>
    %slice3A_208 = vector.extract_strided_slice %dot_general3A_13 {offsets = [0, 1920], sizes = [1024, 128], strides = [1, 1]} : vector<1024x2816xf32> to vector<1024x128xf32>
    %add3A_209 = vector.broadcast %get3A_6 : vector<1024x1xf32> to vector<1024x128xf32>
    %add3A_210 = arith.addf %add3A_209, %slice3A_208 : vector<1024x128xf32>
    %get3A_211 = arith.constant 0 : index
    %get3A_212 = arith.constant 1920 : index
    %get3A_213 = vector.load %arg4[%get3A_211, %get3A_212] : memref<1x8448xf32, #tpu.memory_space<vmem>>, vector<1x128xf32>
    %add3A_214 = vector.broadcast %get3A_213 : vector<1x128xf32> to vector<1024x128xf32>
    %add3A_215 = arith.addf %add3A_210, %add3A_214 : vector<1024x128xf32>
    %lt3A_216 = arith.cmpf olt, %add3A_215, %select_n3A_204 : vector<1024x128xf32>
    %select_n3A_217 = arith.select %lt3A_216, %add3A_215, %select_n3A_204 : vector<1024x128xi1>, vector<1024x128xf32>
    %jit3A_218 = arith.constant 15 : i32
    %broadcast_in_dim3A_219 = vector.broadcast %jit3A_218 : i32 to vector<1024x128xi32>
    %select_n3A_220 = arith.select %lt3A_216, %broadcast_in_dim3A_219, %select_n3A_207 : vector<1024x128xi1>, vector<1024x128xi32>
    %slice3A_221 = vector.extract_strided_slice %dot_general3A_13 {offsets = [0, 2048], sizes = [1024, 128], strides = [1, 1]} : vector<1024x2816xf32> to vector<1024x128xf32>
    %add3A_222 = vector.broadcast %get3A_6 : vector<1024x1xf32> to vector<1024x128xf32>
    %add3A_223 = arith.addf %add3A_222, %slice3A_221 : vector<1024x128xf32>
    %get3A_224 = arith.constant 0 : index
    %get3A_225 = arith.constant 2048 : index
    %get3A_226 = vector.load %arg4[%get3A_224, %get3A_225] : memref<1x8448xf32, #tpu.memory_space<vmem>>, vector<1x128xf32>
    %add3A_227 = vector.broadcast %get3A_226 : vector<1x128xf32> to vector<1024x128xf32>
    %add3A_228 = arith.addf %add3A_223, %add3A_227 : vector<1024x128xf32>
    %lt3A_229 = arith.cmpf olt, %add3A_228, %select_n3A_217 : vector<1024x128xf32>
    %select_n3A_230 = arith.select %lt3A_229, %add3A_228, %select_n3A_217 : vector<1024x128xi1>, vector<1024x128xf32>
    %jit3A_231 = arith.constant 16 : i32
    %broadcast_in_dim3A_232 = vector.broadcast %jit3A_231 : i32 to vector<1024x128xi32>
    %select_n3A_233 = arith.select %lt3A_229, %broadcast_in_dim3A_232, %select_n3A_220 : vector<1024x128xi1>, vector<1024x128xi32>
    %slice3A_234 = vector.extract_strided_slice %dot_general3A_13 {offsets = [0, 2176], sizes = [1024, 128], strides = [1, 1]} : vector<1024x2816xf32> to vector<1024x128xf32>
    %add3A_235 = vector.broadcast %get3A_6 : vector<1024x1xf32> to vector<1024x128xf32>
    %add3A_236 = arith.addf %add3A_235, %slice3A_234 : vector<1024x128xf32>
    %get3A_237 = arith.constant 0 : index
    %get3A_238 = arith.constant 2176 : index
    %get3A_239 = vector.load %arg4[%get3A_237, %get3A_238] : memref<1x8448xf32, #tpu.memory_space<vmem>>, vector<1x128xf32>
    %add3A_240 = vector.broadcast %get3A_239 : vector<1x128xf32> to vector<1024x128xf32>
    %add3A_241 = arith.addf %add3A_236, %add3A_240 : vector<1024x128xf32>
    %lt3A_242 = arith.cmpf olt, %add3A_241, %select_n3A_230 : vector<1024x128xf32>
    %select_n3A_243 = arith.select %lt3A_242, %add3A_241, %select_n3A_230 : vector<1024x128xi1>, vector<1024x128xf32>
    %jit3A_244 = arith.constant 17 : i32
    %broadcast_in_dim3A_245 = vector.broadcast %jit3A_244 : i32 to vector<1024x128xi32>
    %select_n3A_246 = arith.select %lt3A_242, %broadcast_in_dim3A_245, %select_n3A_233 : vector<1024x128xi1>, vector<1024x128xi32>
    %slice3A_247 = vector.extract_strided_slice %dot_general3A_13 {offsets = [0, 2304], sizes = [1024, 128], strides = [1, 1]} : vector<1024x2816xf32> to vector<1024x128xf32>
    %add3A_248 = vector.broadcast %get3A_6 : vector<1024x1xf32> to vector<1024x128xf32>
    %add3A_249 = arith.addf %add3A_248, %slice3A_247 : vector<1024x128xf32>
    %get3A_250 = arith.constant 0 : index
    %get3A_251 = arith.constant 2304 : index
    %get3A_252 = vector.load %arg4[%get3A_250, %get3A_251] : memref<1x8448xf32, #tpu.memory_space<vmem>>, vector<1x128xf32>
    %add3A_253 = vector.broadcast %get3A_252 : vector<1x128xf32> to vector<1024x128xf32>
    %add3A_254 = arith.addf %add3A_249, %add3A_253 : vector<1024x128xf32>
    %lt3A_255 = arith.cmpf olt, %add3A_254, %select_n3A_243 : vector<1024x128xf32>
    %select_n3A_256 = arith.select %lt3A_255, %add3A_254, %select_n3A_243 : vector<1024x128xi1>, vector<1024x128xf32>
    %jit3A_257 = arith.constant 18 : i32
    %broadcast_in_dim3A_258 = vector.broadcast %jit3A_257 : i32 to vector<1024x128xi32>
    %select_n3A_259 = arith.select %lt3A_255, %broadcast_in_dim3A_258, %select_n3A_246 : vector<1024x128xi1>, vector<1024x128xi32>
    %slice3A_260 = vector.extract_strided_slice %dot_general3A_13 {offsets = [0, 2432], sizes = [1024, 128], strides = [1, 1]} : vector<1024x2816xf32> to vector<1024x128xf32>
    %add3A_261 = vector.broadcast %get3A_6 : vector<1024x1xf32> to vector<1024x128xf32>
    %add3A_262 = arith.addf %add3A_261, %slice3A_260 : vector<1024x128xf32>
    %get3A_263 = arith.constant 0 : index
    %get3A_264 = arith.constant 2432 : index
    %get3A_265 = vector.load %arg4[%get3A_263, %get3A_264] : memref<1x8448xf32, #tpu.memory_space<vmem>>, vector<1x128xf32>
    %add3A_266 = vector.broadcast %get3A_265 : vector<1x128xf32> to vector<1024x128xf32>
    %add3A_267 = arith.addf %add3A_262, %add3A_266 : vector<1024x128xf32>
    %lt3A_268 = arith.cmpf olt, %add3A_267, %select_n3A_256 : vector<1024x128xf32>
    %select_n3A_269 = arith.select %lt3A_268, %add3A_267, %select_n3A_256 : vector<1024x128xi1>, vector<1024x128xf32>
    %jit3A_270 = arith.constant 19 : i32
    %broadcast_in_dim3A_271 = vector.broadcast %jit3A_270 : i32 to vector<1024x128xi32>
    %select_n3A_272 = arith.select %lt3A_268, %broadcast_in_dim3A_271, %select_n3A_259 : vector<1024x128xi1>, vector<1024x128xi32>
    %slice3A_273 = vector.extract_strided_slice %dot_general3A_13 {offsets = [0, 2560], sizes = [1024, 128], strides = [1, 1]} : vector<1024x2816xf32> to vector<1024x128xf32>
    %add3A_274 = vector.broadcast %get3A_6 : vector<1024x1xf32> to vector<1024x128xf32>
    %add3A_275 = arith.addf %add3A_274, %slice3A_273 : vector<1024x128xf32>
    %get3A_276 = arith.constant 0 : index
    %get3A_277 = arith.constant 2560 : index
    %get3A_278 = vector.load %arg4[%get3A_276, %get3A_277] : memref<1x8448xf32, #tpu.memory_space<vmem>>, vector<1x128xf32>
    %add3A_279 = vector.broadcast %get3A_278 : vector<1x128xf32> to vector<1024x128xf32>
    %add3A_280 = arith.addf %add3A_275, %add3A_279 : vector<1024x128xf32>
    %lt3A_281 = arith.cmpf olt, %add3A_280, %select_n3A_269 : vector<1024x128xf32>
    %select_n3A_282 = arith.select %lt3A_281, %add3A_280, %select_n3A_269 : vector<1024x128xi1>, vector<1024x128xf32>
    %jit3A_283 = arith.constant 20 : i32
    %broadcast_in_dim3A_284 = vector.broadcast %jit3A_283 : i32 to vector<1024x128xi32>
    %select_n3A_285 = arith.select %lt3A_281, %broadcast_in_dim3A_284, %select_n3A_272 : vector<1024x128xi1>, vector<1024x128xi32>
    %slice3A_286 = vector.extract_strided_slice %dot_general3A_13 {offsets = [0, 2688], sizes = [1024, 128], strides = [1, 1]} : vector<1024x2816xf32> to vector<1024x128xf32>
    %add3A_287 = vector.broadcast %get3A_6 : vector<1024x1xf32> to vector<1024x128xf32>
    %add3A_288 = arith.addf %add3A_287, %slice3A_286 : vector<1024x128xf32>
    %get3A_289 = arith.constant 0 : index
    %get3A_290 = arith.constant 2688 : index
    %get3A_291 = vector.load %arg4[%get3A_289, %get3A_290] : memref<1x8448xf32, #tpu.memory_space<vmem>>, vector<1x128xf32>
    %add3A_292 = vector.broadcast %get3A_291 : vector<1x128xf32> to vector<1024x128xf32>
    %add3A_293 = arith.addf %add3A_288, %add3A_292 : vector<1024x128xf32>
    %lt3A_294 = arith.cmpf olt, %add3A_293, %select_n3A_282 : vector<1024x128xf32>
    %select_n3A_295 = arith.select %lt3A_294, %add3A_293, %select_n3A_282 : vector<1024x128xi1>, vector<1024x128xf32>
    %jit3A_296 = arith.constant 21 : i32
    %broadcast_in_dim3A_297 = vector.broadcast %jit3A_296 : i32 to vector<1024x128xi32>
    %select_n3A_298 = arith.select %lt3A_294, %broadcast_in_dim3A_297, %select_n3A_285 : vector<1024x128xi1>, vector<1024x128xi32>
    %reduce_min3A = arith.constant dense<0x7F800000> : vector<1024xf32>
    %reduce_min3A_299 = vector.multi_reduction <minimumf>, %select_n3A_295, %reduce_min3A [1] : vector<1024x128xf32> to vector<1024xf32>
    %broadcast_in_dim3A_300 = vector.shape_cast %reduce_min3A_299 : vector<1024xf32> to vector<1024x1xf32>
    %mul3A_301 = arith.constant 128 : i32
    %mul3A_302 = vector.broadcast %mul3A_301 : i32 to vector<1024x128xi32>
    %mul3A_303 = arith.muli %select_n3A_298, %mul3A_302 : vector<1024x128xi32>
    %add3A_304 = arith.constant 0 : i32
    %add3A_305 = vector.broadcast %add3A_304 : i32 to vector<1024x128xi32>
    %add3A_306 = arith.addi %iota3A, %add3A_305 : vector<1024x128xi32>
    %add3A_307 = arith.addi %mul3A_303, %add3A_306 : vector<1024x128xi32>
    %eq3A = vector.broadcast %broadcast_in_dim3A_300 : vector<1024x1xf32> to vector<1024x128xf32>
    %eq3A_308 = arith.cmpf oeq, %select_n3A_295, %eq3A : vector<1024x128xf32>
    %jit3A_309 = arith.constant 1073741824 : i32
    %broadcast_in_dim3A_310 = vector.broadcast %jit3A_309 : i32 to vector<1024x128xi32>
    %select_n3A_311 = arith.select %eq3A_308, %add3A_307, %broadcast_in_dim3A_310 : vector<1024x128xi1>, vector<1024x128xi32>
    %reduce_min3A_312 = arith.constant dense<2147483647> : vector<1024xi32>
    %reduce_min3A_313 = vector.multi_reduction <minsi>, %select_n3A_311, %reduce_min3A_312 [1] : vector<1024x128xi32> to vector<1024xi32>
    %broadcast_in_dim3A_314 = vector.shape_cast %reduce_min3A_313 : vector<1024xi32> to vector<1024x1xi32>
    %lt3A_315 = arith.cmpf olt, %broadcast_in_dim3A_300, %broadcast_in_dim3A_7 : vector<1024x1xf32>
    %select_n3A_316 = arith.select %lt3A_315, %broadcast_in_dim3A_314, %broadcast_in_dim3A_9 : vector<1024x1xi1>, vector<1024x1xi32>
    %select_n3A_317 = arith.select %lt3A_315, %broadcast_in_dim3A_300, %broadcast_in_dim3A_7 : vector<1024x1xi1>, vector<1024x1xf32>
    %convert_element_type3A_318 = arith.truncf %select_n3A_317 : vector<1024x1xf32> to vector<1024x1xbf16>
    %convert_element_type3A_319 = arith.extf %convert_element_type3A_318 : vector<1024x1xbf16> to vector<1024x1xf32>
    %get3A_320 = arith.constant 0 : index
    %get3A_321 = arith.constant 2816 : index
    %get3A_322 = vector.load %arg3[%get3A_320, %get3A_321] : memref<256x8448xbf16, #tpu.memory_space<vmem>>, vector<256x2816xbf16>
    %dot_general3A_323 = arith.constant dense<0.000000e+00> : vector<1024x2816xf32>
    %dot_general3A_324 = tpu.matmul %convert_element_type3A, %get3A_322, %dot_general3A_323 {dimension_numbers = #tpu.dot_dimension_numbers<[1], [0], [0], [1], [0, 0, 1, 1], [], []>, transpose_lhs_hint = false} : vector<1024x256xbf16>, vector<256x2816xbf16>, vector<1024x2816xf32> -> vector<1024x2816xf32>
    %broadcast_in_dim3A_325 = arith.constant 0x7F800000 : f32
    %broadcast_in_dim3A_326 = vector.broadcast %broadcast_in_dim3A_325 : f32 to vector<1024x128xf32>
    %broadcast_in_dim3A_327 = arith.constant 0 : i32
    %broadcast_in_dim3A_328 = vector.broadcast %broadcast_in_dim3A_327 : i32 to vector<1024x128xi32>
    %slice3A_329 = vector.extract_strided_slice %dot_general3A_324 {offsets = [0, 0], sizes = [1024, 128], strides = [1, 1]} : vector<1024x2816xf32> to vector<1024x128xf32>
    %add3A_330 = vector.broadcast %get3A_6 : vector<1024x1xf32> to vector<1024x128xf32>
    %add3A_331 = arith.addf %add3A_330, %slice3A_329 : vector<1024x128xf32>
    %get3A_332 = arith.constant 0 : index
    %get3A_333 = arith.constant 2816 : index
    %get3A_334 = vector.load %arg4[%get3A_332, %get3A_333] : memref<1x8448xf32, #tpu.memory_space<vmem>>, vector<1x128xf32>
    %add3A_335 = vector.broadcast %get3A_334 : vector<1x128xf32> to vector<1024x128xf32>
    %add3A_336 = arith.addf %add3A_331, %add3A_335 : vector<1024x128xf32>
    %lt3A_337 = arith.cmpf olt, %add3A_336, %broadcast_in_dim3A_326 : vector<1024x128xf32>
    %select_n3A_338 = arith.select %lt3A_337, %add3A_336, %broadcast_in_dim3A_326 : vector<1024x128xi1>, vector<1024x128xf32>
    %jit3A_339 = arith.constant 0 : i32
    %broadcast_in_dim3A_340 = vector.broadcast %jit3A_339 : i32 to vector<1024x128xi32>
    %select_n3A_341 = arith.select %lt3A_337, %broadcast_in_dim3A_340, %broadcast_in_dim3A_328 : vector<1024x128xi1>, vector<1024x128xi32>
    %slice3A_342 = vector.extract_strided_slice %dot_general3A_324 {offsets = [0, 128], sizes = [1024, 128], strides = [1, 1]} : vector<1024x2816xf32> to vector<1024x128xf32>
    %add3A_343 = vector.broadcast %get3A_6 : vector<1024x1xf32> to vector<1024x128xf32>
    %add3A_344 = arith.addf %add3A_343, %slice3A_342 : vector<1024x128xf32>
    %get3A_345 = arith.constant 0 : index
    %get3A_346 = arith.constant 2944 : index
    %get3A_347 = vector.load %arg4[%get3A_345, %get3A_346] : memref<1x8448xf32, #tpu.memory_space<vmem>>, vector<1x128xf32>
    %add3A_348 = vector.broadcast %get3A_347 : vector<1x128xf32> to vector<1024x128xf32>
    %add3A_349 = arith.addf %add3A_344, %add3A_348 : vector<1024x128xf32>
    %lt3A_350 = arith.cmpf olt, %add3A_349, %select_n3A_338 : vector<1024x128xf32>
    %select_n3A_351 = arith.select %lt3A_350, %add3A_349, %select_n3A_338 : vector<1024x128xi1>, vector<1024x128xf32>
    %jit3A_352 = arith.constant 1 : i32
    %broadcast_in_dim3A_353 = vector.broadcast %jit3A_352 : i32 to vector<1024x128xi32>
    %select_n3A_354 = arith.select %lt3A_350, %broadcast_in_dim3A_353, %select_n3A_341 : vector<1024x128xi1>, vector<1024x128xi32>
    %slice3A_355 = vector.extract_strided_slice %dot_general3A_324 {offsets = [0, 256], sizes = [1024, 128], strides = [1, 1]} : vector<1024x2816xf32> to vector<1024x128xf32>
    %add3A_356 = vector.broadcast %get3A_6 : vector<1024x1xf32> to vector<1024x128xf32>
    %add3A_357 = arith.addf %add3A_356, %slice3A_355 : vector<1024x128xf32>
    %get3A_358 = arith.constant 0 : index
    %get3A_359 = arith.constant 3072 : index
    %get3A_360 = vector.load %arg4[%get3A_358, %get3A_359] : memref<1x8448xf32, #tpu.memory_space<vmem>>, vector<1x128xf32>
    %add3A_361 = vector.broadcast %get3A_360 : vector<1x128xf32> to vector<1024x128xf32>
    %add3A_362 = arith.addf %add3A_357, %add3A_361 : vector<1024x128xf32>
    %lt3A_363 = arith.cmpf olt, %add3A_362, %select_n3A_351 : vector<1024x128xf32>
    %select_n3A_364 = arith.select %lt3A_363, %add3A_362, %select_n3A_351 : vector<1024x128xi1>, vector<1024x128xf32>
    %jit3A_365 = arith.constant 2 : i32
    %broadcast_in_dim3A_366 = vector.broadcast %jit3A_365 : i32 to vector<1024x128xi32>
    %select_n3A_367 = arith.select %lt3A_363, %broadcast_in_dim3A_366, %select_n3A_354 : vector<1024x128xi1>, vector<1024x128xi32>
    %slice3A_368 = vector.extract_strided_slice %dot_general3A_324 {offsets = [0, 384], sizes = [1024, 128], strides = [1, 1]} : vector<1024x2816xf32> to vector<1024x128xf32>
    %add3A_369 = vector.broadcast %get3A_6 : vector<1024x1xf32> to vector<1024x128xf32>
    %add3A_370 = arith.addf %add3A_369, %slice3A_368 : vector<1024x128xf32>
    %get3A_371 = arith.constant 0 : index
    %get3A_372 = arith.constant 3200 : index
    %get3A_373 = vector.load %arg4[%get3A_371, %get3A_372] : memref<1x8448xf32, #tpu.memory_space<vmem>>, vector<1x128xf32>
    %add3A_374 = vector.broadcast %get3A_373 : vector<1x128xf32> to vector<1024x128xf32>
    %add3A_375 = arith.addf %add3A_370, %add3A_374 : vector<1024x128xf32>
    %lt3A_376 = arith.cmpf olt, %add3A_375, %select_n3A_364 : vector<1024x128xf32>
    %select_n3A_377 = arith.select %lt3A_376, %add3A_375, %select_n3A_364 : vector<1024x128xi1>, vector<1024x128xf32>
    %jit3A_378 = arith.constant 3 : i32
    %broadcast_in_dim3A_379 = vector.broadcast %jit3A_378 : i32 to vector<1024x128xi32>
    %select_n3A_380 = arith.select %lt3A_376, %broadcast_in_dim3A_379, %select_n3A_367 : vector<1024x128xi1>, vector<1024x128xi32>
    %slice3A_381 = vector.extract_strided_slice %dot_general3A_324 {offsets = [0, 512], sizes = [1024, 128], strides = [1, 1]} : vector<1024x2816xf32> to vector<1024x128xf32>
    %add3A_382 = vector.broadcast %get3A_6 : vector<1024x1xf32> to vector<1024x128xf32>
    %add3A_383 = arith.addf %add3A_382, %slice3A_381 : vector<1024x128xf32>
    %get3A_384 = arith.constant 0 : index
    %get3A_385 = arith.constant 3328 : index
    %get3A_386 = vector.load %arg4[%get3A_384, %get3A_385] : memref<1x8448xf32, #tpu.memory_space<vmem>>, vector<1x128xf32>
    %add3A_387 = vector.broadcast %get3A_386 : vector<1x128xf32> to vector<1024x128xf32>
    %add3A_388 = arith.addf %add3A_383, %add3A_387 : vector<1024x128xf32>
    %lt3A_389 = arith.cmpf olt, %add3A_388, %select_n3A_377 : vector<1024x128xf32>
    %select_n3A_390 = arith.select %lt3A_389, %add3A_388, %select_n3A_377 : vector<1024x128xi1>, vector<1024x128xf32>
    %jit3A_391 = arith.constant 4 : i32
    %broadcast_in_dim3A_392 = vector.broadcast %jit3A_391 : i32 to vector<1024x128xi32>
    %select_n3A_393 = arith.select %lt3A_389, %broadcast_in_dim3A_392, %select_n3A_380 : vector<1024x128xi1>, vector<1024x128xi32>
    %slice3A_394 = vector.extract_strided_slice %dot_general3A_324 {offsets = [0, 640], sizes = [1024, 128], strides = [1, 1]} : vector<1024x2816xf32> to vector<1024x128xf32>
    %add3A_395 = vector.broadcast %get3A_6 : vector<1024x1xf32> to vector<1024x128xf32>
    %add3A_396 = arith.addf %add3A_395, %slice3A_394 : vector<1024x128xf32>
    %get3A_397 = arith.constant 0 : index
    %get3A_398 = arith.constant 3456 : index
    %get3A_399 = vector.load %arg4[%get3A_397, %get3A_398] : memref<1x8448xf32, #tpu.memory_space<vmem>>, vector<1x128xf32>
    %add3A_400 = vector.broadcast %get3A_399 : vector<1x128xf32> to vector<1024x128xf32>
    %add3A_401 = arith.addf %add3A_396, %add3A_400 : vector<1024x128xf32>
    %lt3A_402 = arith.cmpf olt, %add3A_401, %select_n3A_390 : vector<1024x128xf32>
    %select_n3A_403 = arith.select %lt3A_402, %add3A_401, %select_n3A_390 : vector<1024x128xi1>, vector<1024x128xf32>
    %jit3A_404 = arith.constant 5 : i32
    %broadcast_in_dim3A_405 = vector.broadcast %jit3A_404 : i32 to vector<1024x128xi32>
    %select_n3A_406 = arith.select %lt3A_402, %broadcast_in_dim3A_405, %select_n3A_393 : vector<1024x128xi1>, vector<1024x128xi32>
    %slice3A_407 = vector.extract_strided_slice %dot_general3A_324 {offsets = [0, 768], sizes = [1024, 128], strides = [1, 1]} : vector<1024x2816xf32> to vector<1024x128xf32>
    %add3A_408 = vector.broadcast %get3A_6 : vector<1024x1xf32> to vector<1024x128xf32>
    %add3A_409 = arith.addf %add3A_408, %slice3A_407 : vector<1024x128xf32>
    %get3A_410 = arith.constant 0 : index
    %get3A_411 = arith.constant 3584 : index
    %get3A_412 = vector.load %arg4[%get3A_410, %get3A_411] : memref<1x8448xf32, #tpu.memory_space<vmem>>, vector<1x128xf32>
    %add3A_413 = vector.broadcast %get3A_412 : vector<1x128xf32> to vector<1024x128xf32>
    %add3A_414 = arith.addf %add3A_409, %add3A_413 : vector<1024x128xf32>
    %lt3A_415 = arith.cmpf olt, %add3A_414, %select_n3A_403 : vector<1024x128xf32>
    %select_n3A_416 = arith.select %lt3A_415, %add3A_414, %select_n3A_403 : vector<1024x128xi1>, vector<1024x128xf32>
    %jit3A_417 = arith.constant 6 : i32
    %broadcast_in_dim3A_418 = vector.broadcast %jit3A_417 : i32 to vector<1024x128xi32>
    %select_n3A_419 = arith.select %lt3A_415, %broadcast_in_dim3A_418, %select_n3A_406 : vector<1024x128xi1>, vector<1024x128xi32>
    %slice3A_420 = vector.extract_strided_slice %dot_general3A_324 {offsets = [0, 896], sizes = [1024, 128], strides = [1, 1]} : vector<1024x2816xf32> to vector<1024x128xf32>
    %add3A_421 = vector.broadcast %get3A_6 : vector<1024x1xf32> to vector<1024x128xf32>
    %add3A_422 = arith.addf %add3A_421, %slice3A_420 : vector<1024x128xf32>
    %get3A_423 = arith.constant 0 : index
    %get3A_424 = arith.constant 3712 : index
    %get3A_425 = vector.load %arg4[%get3A_423, %get3A_424] : memref<1x8448xf32, #tpu.memory_space<vmem>>, vector<1x128xf32>
    %add3A_426 = vector.broadcast %get3A_425 : vector<1x128xf32> to vector<1024x128xf32>
    %add3A_427 = arith.addf %add3A_422, %add3A_426 : vector<1024x128xf32>
    %lt3A_428 = arith.cmpf olt, %add3A_427, %select_n3A_416 : vector<1024x128xf32>
    %select_n3A_429 = arith.select %lt3A_428, %add3A_427, %select_n3A_416 : vector<1024x128xi1>, vector<1024x128xf32>
    %jit3A_430 = arith.constant 7 : i32
    %broadcast_in_dim3A_431 = vector.broadcast %jit3A_430 : i32 to vector<1024x128xi32>
    %select_n3A_432 = arith.select %lt3A_428, %broadcast_in_dim3A_431, %select_n3A_419 : vector<1024x128xi1>, vector<1024x128xi32>
    %slice3A_433 = vector.extract_strided_slice %dot_general3A_324 {offsets = [0, 1024], sizes = [1024, 128], strides = [1, 1]} : vector<1024x2816xf32> to vector<1024x128xf32>
    %add3A_434 = vector.broadcast %get3A_6 : vector<1024x1xf32> to vector<1024x128xf32>
    %add3A_435 = arith.addf %add3A_434, %slice3A_433 : vector<1024x128xf32>
    %get3A_436 = arith.constant 0 : index
    %get3A_437 = arith.constant 3840 : index
    %get3A_438 = vector.load %arg4[%get3A_436, %get3A_437] : memref<1x8448xf32, #tpu.memory_space<vmem>>, vector<1x128xf32>
    %add3A_439 = vector.broadcast %get3A_438 : vector<1x128xf32> to vector<1024x128xf32>
    %add3A_440 = arith.addf %add3A_435, %add3A_439 : vector<1024x128xf32>
    %lt3A_441 = arith.cmpf olt, %add3A_440, %select_n3A_429 : vector<1024x128xf32>
    %select_n3A_442 = arith.select %lt3A_441, %add3A_440, %select_n3A_429 : vector<1024x128xi1>, vector<1024x128xf32>
    %jit3A_443 = arith.constant 8 : i32
    %broadcast_in_dim3A_444 = vector.broadcast %jit3A_443 : i32 to vector<1024x128xi32>
    %select_n3A_445 = arith.select %lt3A_441, %broadcast_in_dim3A_444, %select_n3A_432 : vector<1024x128xi1>, vector<1024x128xi32>
    %slice3A_446 = vector.extract_strided_slice %dot_general3A_324 {offsets = [0, 1152], sizes = [1024, 128], strides = [1, 1]} : vector<1024x2816xf32> to vector<1024x128xf32>
    %add3A_447 = vector.broadcast %get3A_6 : vector<1024x1xf32> to vector<1024x128xf32>
    %add3A_448 = arith.addf %add3A_447, %slice3A_446 : vector<1024x128xf32>
    %get3A_449 = arith.constant 0 : index
    %get3A_450 = arith.constant 3968 : index
    %get3A_451 = vector.load %arg4[%get3A_449, %get3A_450] : memref<1x8448xf32, #tpu.memory_space<vmem>>, vector<1x128xf32>
    %add3A_452 = vector.broadcast %get3A_451 : vector<1x128xf32> to vector<1024x128xf32>
    %add3A_453 = arith.addf %add3A_448, %add3A_452 : vector<1024x128xf32>
    %lt3A_454 = arith.cmpf olt, %add3A_453, %select_n3A_442 : vector<1024x128xf32>
    %select_n3A_455 = arith.select %lt3A_454, %add3A_453, %select_n3A_442 : vector<1024x128xi1>, vector<1024x128xf32>
    %jit3A_456 = arith.constant 9 : i32
    %broadcast_in_dim3A_457 = vector.broadcast %jit3A_456 : i32 to vector<1024x128xi32>
    %select_n3A_458 = arith.select %lt3A_454, %broadcast_in_dim3A_457, %select_n3A_445 : vector<1024x128xi1>, vector<1024x128xi32>
    %slice3A_459 = vector.extract_strided_slice %dot_general3A_324 {offsets = [0, 1280], sizes = [1024, 128], strides = [1, 1]} : vector<1024x2816xf32> to vector<1024x128xf32>
    %add3A_460 = vector.broadcast %get3A_6 : vector<1024x1xf32> to vector<1024x128xf32>
    %add3A_461 = arith.addf %add3A_460, %slice3A_459 : vector<1024x128xf32>
    %get3A_462 = arith.constant 0 : index
    %get3A_463 = arith.constant 4096 : index
    %get3A_464 = vector.load %arg4[%get3A_462, %get3A_463] : memref<1x8448xf32, #tpu.memory_space<vmem>>, vector<1x128xf32>
    %add3A_465 = vector.broadcast %get3A_464 : vector<1x128xf32> to vector<1024x128xf32>
    %add3A_466 = arith.addf %add3A_461, %add3A_465 : vector<1024x128xf32>
    %lt3A_467 = arith.cmpf olt, %add3A_466, %select_n3A_455 : vector<1024x128xf32>
    %select_n3A_468 = arith.select %lt3A_467, %add3A_466, %select_n3A_455 : vector<1024x128xi1>, vector<1024x128xf32>
    %jit3A_469 = arith.constant 10 : i32
    %broadcast_in_dim3A_470 = vector.broadcast %jit3A_469 : i32 to vector<1024x128xi32>
    %select_n3A_471 = arith.select %lt3A_467, %broadcast_in_dim3A_470, %select_n3A_458 : vector<1024x128xi1>, vector<1024x128xi32>
    %slice3A_472 = vector.extract_strided_slice %dot_general3A_324 {offsets = [0, 1408], sizes = [1024, 128], strides = [1, 1]} : vector<1024x2816xf32> to vector<1024x128xf32>
    %add3A_473 = vector.broadcast %get3A_6 : vector<1024x1xf32> to vector<1024x128xf32>
    %add3A_474 = arith.addf %add3A_473, %slice3A_472 : vector<1024x128xf32>
    %get3A_475 = arith.constant 0 : index
    %get3A_476 = arith.constant 4224 : index
    %get3A_477 = vector.load %arg4[%get3A_475, %get3A_476] : memref<1x8448xf32, #tpu.memory_space<vmem>>, vector<1x128xf32>
    %add3A_478 = vector.broadcast %get3A_477 : vector<1x128xf32> to vector<1024x128xf32>
    %add3A_479 = arith.addf %add3A_474, %add3A_478 : vector<1024x128xf32>
    %lt3A_480 = arith.cmpf olt, %add3A_479, %select_n3A_468 : vector<1024x128xf32>
    %select_n3A_481 = arith.select %lt3A_480, %add3A_479, %select_n3A_468 : vector<1024x128xi1>, vector<1024x128xf32>
    %jit3A_482 = arith.constant 11 : i32
    %broadcast_in_dim3A_483 = vector.broadcast %jit3A_482 : i32 to vector<1024x128xi32>
    %select_n3A_484 = arith.select %lt3A_480, %broadcast_in_dim3A_483, %select_n3A_471 : vector<1024x128xi1>, vector<1024x128xi32>
    %slice3A_485 = vector.extract_strided_slice %dot_general3A_324 {offsets = [0, 1536], sizes = [1024, 128], strides = [1, 1]} : vector<1024x2816xf32> to vector<1024x128xf32>
    %add3A_486 = vector.broadcast %get3A_6 : vector<1024x1xf32> to vector<1024x128xf32>
    %add3A_487 = arith.addf %add3A_486, %slice3A_485 : vector<1024x128xf32>
    %get3A_488 = arith.constant 0 : index
    %get3A_489 = arith.constant 4352 : index
    %get3A_490 = vector.load %arg4[%get3A_488, %get3A_489] : memref<1x8448xf32, #tpu.memory_space<vmem>>, vector<1x128xf32>
    %add3A_491 = vector.broadcast %get3A_490 : vector<1x128xf32> to vector<1024x128xf32>
    %add3A_492 = arith.addf %add3A_487, %add3A_491 : vector<1024x128xf32>
    %lt3A_493 = arith.cmpf olt, %add3A_492, %select_n3A_481 : vector<1024x128xf32>
    %select_n3A_494 = arith.select %lt3A_493, %add3A_492, %select_n3A_481 : vector<1024x128xi1>, vector<1024x128xf32>
    %jit3A_495 = arith.constant 12 : i32
    %broadcast_in_dim3A_496 = vector.broadcast %jit3A_495 : i32 to vector<1024x128xi32>
    %select_n3A_497 = arith.select %lt3A_493, %broadcast_in_dim3A_496, %select_n3A_484 : vector<1024x128xi1>, vector<1024x128xi32>
    %slice3A_498 = vector.extract_strided_slice %dot_general3A_324 {offsets = [0, 1664], sizes = [1024, 128], strides = [1, 1]} : vector<1024x2816xf32> to vector<1024x128xf32>
    %add3A_499 = vector.broadcast %get3A_6 : vector<1024x1xf32> to vector<1024x128xf32>
    %add3A_500 = arith.addf %add3A_499, %slice3A_498 : vector<1024x128xf32>
    %get3A_501 = arith.constant 0 : index
    %get3A_502 = arith.constant 4480 : index
    %get3A_503 = vector.load %arg4[%get3A_501, %get3A_502] : memref<1x8448xf32, #tpu.memory_space<vmem>>, vector<1x128xf32>
    %add3A_504 = vector.broadcast %get3A_503 : vector<1x128xf32> to vector<1024x128xf32>
    %add3A_505 = arith.addf %add3A_500, %add3A_504 : vector<1024x128xf32>
    %lt3A_506 = arith.cmpf olt, %add3A_505, %select_n3A_494 : vector<1024x128xf32>
    %select_n3A_507 = arith.select %lt3A_506, %add3A_505, %select_n3A_494 : vector<1024x128xi1>, vector<1024x128xf32>
    %jit3A_508 = arith.constant 13 : i32
    %broadcast_in_dim3A_509 = vector.broadcast %jit3A_508 : i32 to vector<1024x128xi32>
    %select_n3A_510 = arith.select %lt3A_506, %broadcast_in_dim3A_509, %select_n3A_497 : vector<1024x128xi1>, vector<1024x128xi32>
    %slice3A_511 = vector.extract_strided_slice %dot_general3A_324 {offsets = [0, 1792], sizes = [1024, 128], strides = [1, 1]} : vector<1024x2816xf32> to vector<1024x128xf32>
    %add3A_512 = vector.broadcast %get3A_6 : vector<1024x1xf32> to vector<1024x128xf32>
    %add3A_513 = arith.addf %add3A_512, %slice3A_511 : vector<1024x128xf32>
    %get3A_514 = arith.constant 0 : index
    %get3A_515 = arith.constant 4608 : index
    %get3A_516 = vector.load %arg4[%get3A_514, %get3A_515] : memref<1x8448xf32, #tpu.memory_space<vmem>>, vector<1x128xf32>
    %add3A_517 = vector.broadcast %get3A_516 : vector<1x128xf32> to vector<1024x128xf32>
    %add3A_518 = arith.addf %add3A_513, %add3A_517 : vector<1024x128xf32>
    %lt3A_519 = arith.cmpf olt, %add3A_518, %select_n3A_507 : vector<1024x128xf32>
    %select_n3A_520 = arith.select %lt3A_519, %add3A_518, %select_n3A_507 : vector<1024x128xi1>, vector<1024x128xf32>
    %jit3A_521 = arith.constant 14 : i32
    %broadcast_in_dim3A_522 = vector.broadcast %jit3A_521 : i32 to vector<1024x128xi32>
    %select_n3A_523 = arith.select %lt3A_519, %broadcast_in_dim3A_522, %select_n3A_510 : vector<1024x128xi1>, vector<1024x128xi32>
    %slice3A_524 = vector.extract_strided_slice %dot_general3A_324 {offsets = [0, 1920], sizes = [1024, 128], strides = [1, 1]} : vector<1024x2816xf32> to vector<1024x128xf32>
    %add3A_525 = vector.broadcast %get3A_6 : vector<1024x1xf32> to vector<1024x128xf32>
    %add3A_526 = arith.addf %add3A_525, %slice3A_524 : vector<1024x128xf32>
    %get3A_527 = arith.constant 0 : index
    %get3A_528 = arith.constant 4736 : index
    %get3A_529 = vector.load %arg4[%get3A_527, %get3A_528] : memref<1x8448xf32, #tpu.memory_space<vmem>>, vector<1x128xf32>
    %add3A_530 = vector.broadcast %get3A_529 : vector<1x128xf32> to vector<1024x128xf32>
    %add3A_531 = arith.addf %add3A_526, %add3A_530 : vector<1024x128xf32>
    %lt3A_532 = arith.cmpf olt, %add3A_531, %select_n3A_520 : vector<1024x128xf32>
    %select_n3A_533 = arith.select %lt3A_532, %add3A_531, %select_n3A_520 : vector<1024x128xi1>, vector<1024x128xf32>
    %jit3A_534 = arith.constant 15 : i32
    %broadcast_in_dim3A_535 = vector.broadcast %jit3A_534 : i32 to vector<1024x128xi32>
    %select_n3A_536 = arith.select %lt3A_532, %broadcast_in_dim3A_535, %select_n3A_523 : vector<1024x128xi1>, vector<1024x128xi32>
    %slice3A_537 = vector.extract_strided_slice %dot_general3A_324 {offsets = [0, 2048], sizes = [1024, 128], strides = [1, 1]} : vector<1024x2816xf32> to vector<1024x128xf32>
    %add3A_538 = vector.broadcast %get3A_6 : vector<1024x1xf32> to vector<1024x128xf32>
    %add3A_539 = arith.addf %add3A_538, %slice3A_537 : vector<1024x128xf32>
    %get3A_540 = arith.constant 0 : index
    %get3A_541 = arith.constant 4864 : index
    %get3A_542 = vector.load %arg4[%get3A_540, %get3A_541] : memref<1x8448xf32, #tpu.memory_space<vmem>>, vector<1x128xf32>
    %add3A_543 = vector.broadcast %get3A_542 : vector<1x128xf32> to vector<1024x128xf32>
    %add3A_544 = arith.addf %add3A_539, %add3A_543 : vector<1024x128xf32>
    %lt3A_545 = arith.cmpf olt, %add3A_544, %select_n3A_533 : vector<1024x128xf32>
    %select_n3A_546 = arith.select %lt3A_545, %add3A_544, %select_n3A_533 : vector<1024x128xi1>, vector<1024x128xf32>
    %jit3A_547 = arith.constant 16 : i32
    %broadcast_in_dim3A_548 = vector.broadcast %jit3A_547 : i32 to vector<1024x128xi32>
    %select_n3A_549 = arith.select %lt3A_545, %broadcast_in_dim3A_548, %select_n3A_536 : vector<1024x128xi1>, vector<1024x128xi32>
    %slice3A_550 = vector.extract_strided_slice %dot_general3A_324 {offsets = [0, 2176], sizes = [1024, 128], strides = [1, 1]} : vector<1024x2816xf32> to vector<1024x128xf32>
    %add3A_551 = vector.broadcast %get3A_6 : vector<1024x1xf32> to vector<1024x128xf32>
    %add3A_552 = arith.addf %add3A_551, %slice3A_550 : vector<1024x128xf32>
    %get3A_553 = arith.constant 0 : index
    %get3A_554 = arith.constant 4992 : index
    %get3A_555 = vector.load %arg4[%get3A_553, %get3A_554] : memref<1x8448xf32, #tpu.memory_space<vmem>>, vector<1x128xf32>
    %add3A_556 = vector.broadcast %get3A_555 : vector<1x128xf32> to vector<1024x128xf32>
    %add3A_557 = arith.addf %add3A_552, %add3A_556 : vector<1024x128xf32>
    %lt3A_558 = arith.cmpf olt, %add3A_557, %select_n3A_546 : vector<1024x128xf32>
    %select_n3A_559 = arith.select %lt3A_558, %add3A_557, %select_n3A_546 : vector<1024x128xi1>, vector<1024x128xf32>
    %jit3A_560 = arith.constant 17 : i32
    %broadcast_in_dim3A_561 = vector.broadcast %jit3A_560 : i32 to vector<1024x128xi32>
    %select_n3A_562 = arith.select %lt3A_558, %broadcast_in_dim3A_561, %select_n3A_549 : vector<1024x128xi1>, vector<1024x128xi32>
    %slice3A_563 = vector.extract_strided_slice %dot_general3A_324 {offsets = [0, 2304], sizes = [1024, 128], strides = [1, 1]} : vector<1024x2816xf32> to vector<1024x128xf32>
    %add3A_564 = vector.broadcast %get3A_6 : vector<1024x1xf32> to vector<1024x128xf32>
    %add3A_565 = arith.addf %add3A_564, %slice3A_563 : vector<1024x128xf32>
    %get3A_566 = arith.constant 0 : index
    %get3A_567 = arith.constant 5120 : index
    %get3A_568 = vector.load %arg4[%get3A_566, %get3A_567] : memref<1x8448xf32, #tpu.memory_space<vmem>>, vector<1x128xf32>
    %add3A_569 = vector.broadcast %get3A_568 : vector<1x128xf32> to vector<1024x128xf32>
    %add3A_570 = arith.addf %add3A_565, %add3A_569 : vector<1024x128xf32>
    %lt3A_571 = arith.cmpf olt, %add3A_570, %select_n3A_559 : vector<1024x128xf32>
    %select_n3A_572 = arith.select %lt3A_571, %add3A_570, %select_n3A_559 : vector<1024x128xi1>, vector<1024x128xf32>
    %jit3A_573 = arith.constant 18 : i32
    %broadcast_in_dim3A_574 = vector.broadcast %jit3A_573 : i32 to vector<1024x128xi32>
    %select_n3A_575 = arith.select %lt3A_571, %broadcast_in_dim3A_574, %select_n3A_562 : vector<1024x128xi1>, vector<1024x128xi32>
    %slice3A_576 = vector.extract_strided_slice %dot_general3A_324 {offsets = [0, 2432], sizes = [1024, 128], strides = [1, 1]} : vector<1024x2816xf32> to vector<1024x128xf32>
    %add3A_577 = vector.broadcast %get3A_6 : vector<1024x1xf32> to vector<1024x128xf32>
    %add3A_578 = arith.addf %add3A_577, %slice3A_576 : vector<1024x128xf32>
    %get3A_579 = arith.constant 0 : index
    %get3A_580 = arith.constant 5248 : index
    %get3A_581 = vector.load %arg4[%get3A_579, %get3A_580] : memref<1x8448xf32, #tpu.memory_space<vmem>>, vector<1x128xf32>
    %add3A_582 = vector.broadcast %get3A_581 : vector<1x128xf32> to vector<1024x128xf32>
    %add3A_583 = arith.addf %add3A_578, %add3A_582 : vector<1024x128xf32>
    %lt3A_584 = arith.cmpf olt, %add3A_583, %select_n3A_572 : vector<1024x128xf32>
    %select_n3A_585 = arith.select %lt3A_584, %add3A_583, %select_n3A_572 : vector<1024x128xi1>, vector<1024x128xf32>
    %jit3A_586 = arith.constant 19 : i32
    %broadcast_in_dim3A_587 = vector.broadcast %jit3A_586 : i32 to vector<1024x128xi32>
    %select_n3A_588 = arith.select %lt3A_584, %broadcast_in_dim3A_587, %select_n3A_575 : vector<1024x128xi1>, vector<1024x128xi32>
    %slice3A_589 = vector.extract_strided_slice %dot_general3A_324 {offsets = [0, 2560], sizes = [1024, 128], strides = [1, 1]} : vector<1024x2816xf32> to vector<1024x128xf32>
    %add3A_590 = vector.broadcast %get3A_6 : vector<1024x1xf32> to vector<1024x128xf32>
    %add3A_591 = arith.addf %add3A_590, %slice3A_589 : vector<1024x128xf32>
    %get3A_592 = arith.constant 0 : index
    %get3A_593 = arith.constant 5376 : index
    %get3A_594 = vector.load %arg4[%get3A_592, %get3A_593] : memref<1x8448xf32, #tpu.memory_space<vmem>>, vector<1x128xf32>
    %add3A_595 = vector.broadcast %get3A_594 : vector<1x128xf32> to vector<1024x128xf32>
    %add3A_596 = arith.addf %add3A_591, %add3A_595 : vector<1024x128xf32>
    %lt3A_597 = arith.cmpf olt, %add3A_596, %select_n3A_585 : vector<1024x128xf32>
    %select_n3A_598 = arith.select %lt3A_597, %add3A_596, %select_n3A_585 : vector<1024x128xi1>, vector<1024x128xf32>
    %jit3A_599 = arith.constant 20 : i32
    %broadcast_in_dim3A_600 = vector.broadcast %jit3A_599 : i32 to vector<1024x128xi32>
    %select_n3A_601 = arith.select %lt3A_597, %broadcast_in_dim3A_600, %select_n3A_588 : vector<1024x128xi1>, vector<1024x128xi32>
    %slice3A_602 = vector.extract_strided_slice %dot_general3A_324 {offsets = [0, 2688], sizes = [1024, 128], strides = [1, 1]} : vector<1024x2816xf32> to vector<1024x128xf32>
    %add3A_603 = vector.broadcast %get3A_6 : vector<1024x1xf32> to vector<1024x128xf32>
    %add3A_604 = arith.addf %add3A_603, %slice3A_602 : vector<1024x128xf32>
    %get3A_605 = arith.constant 0 : index
    %get3A_606 = arith.constant 5504 : index
    %get3A_607 = vector.load %arg4[%get3A_605, %get3A_606] : memref<1x8448xf32, #tpu.memory_space<vmem>>, vector<1x128xf32>
    %add3A_608 = vector.broadcast %get3A_607 : vector<1x128xf32> to vector<1024x128xf32>
    %add3A_609 = arith.addf %add3A_604, %add3A_608 : vector<1024x128xf32>
    %lt3A_610 = arith.cmpf olt, %add3A_609, %select_n3A_598 : vector<1024x128xf32>
    %select_n3A_611 = arith.select %lt3A_610, %add3A_609, %select_n3A_598 : vector<1024x128xi1>, vector<1024x128xf32>
    %jit3A_612 = arith.constant 21 : i32
    %broadcast_in_dim3A_613 = vector.broadcast %jit3A_612 : i32 to vector<1024x128xi32>
    %select_n3A_614 = arith.select %lt3A_610, %broadcast_in_dim3A_613, %select_n3A_601 : vector<1024x128xi1>, vector<1024x128xi32>
    %reduce_min3A_615 = arith.constant dense<0x7F800000> : vector<1024xf32>
    %reduce_min3A_616 = vector.multi_reduction <minimumf>, %select_n3A_611, %reduce_min3A_615 [1] : vector<1024x128xf32> to vector<1024xf32>
    %broadcast_in_dim3A_617 = vector.shape_cast %reduce_min3A_616 : vector<1024xf32> to vector<1024x1xf32>
    %mul3A_618 = arith.constant 128 : i32
    %mul3A_619 = vector.broadcast %mul3A_618 : i32 to vector<1024x128xi32>
    %mul3A_620 = arith.muli %select_n3A_614, %mul3A_619 : vector<1024x128xi32>
    %add3A_621 = arith.constant 2736 : i32
    %add3A_622 = vector.broadcast %add3A_621 : i32 to vector<1024x128xi32>
    %add3A_623 = arith.addi %iota3A, %add3A_622 : vector<1024x128xi32>
    %add3A_624 = arith.addi %mul3A_620, %add3A_623 : vector<1024x128xi32>
    %eq3A_625 = vector.broadcast %broadcast_in_dim3A_617 : vector<1024x1xf32> to vector<1024x128xf32>
    %eq3A_626 = arith.cmpf oeq, %select_n3A_611, %eq3A_625 : vector<1024x128xf32>
    %jit3A_627 = arith.constant 1073741824 : i32
    %broadcast_in_dim3A_628 = vector.broadcast %jit3A_627 : i32 to vector<1024x128xi32>
    %select_n3A_629 = arith.select %eq3A_626, %add3A_624, %broadcast_in_dim3A_628 : vector<1024x128xi1>, vector<1024x128xi32>
    %reduce_min3A_630 = arith.constant dense<2147483647> : vector<1024xi32>
    %reduce_min3A_631 = vector.multi_reduction <minsi>, %select_n3A_629, %reduce_min3A_630 [1] : vector<1024x128xi32> to vector<1024xi32>
    %broadcast_in_dim3A_632 = vector.shape_cast %reduce_min3A_631 : vector<1024xi32> to vector<1024x1xi32>
    %lt3A_633 = arith.cmpf olt, %broadcast_in_dim3A_617, %convert_element_type3A_319 : vector<1024x1xf32>
    %select_n3A_634 = arith.select %lt3A_633, %broadcast_in_dim3A_632, %select_n3A_316 : vector<1024x1xi1>, vector<1024x1xi32>
    %select_n3A_635 = arith.select %lt3A_633, %broadcast_in_dim3A_617, %convert_element_type3A_319 : vector<1024x1xi1>, vector<1024x1xf32>
    %convert_element_type3A_636 = arith.truncf %select_n3A_635 : vector<1024x1xf32> to vector<1024x1xbf16>
    %convert_element_type3A_637 = arith.extf %convert_element_type3A_636 : vector<1024x1xbf16> to vector<1024x1xf32>
    %get3A_638 = arith.constant 0 : index
    %get3A_639 = arith.constant 5632 : index
    %get3A_640 = vector.load %arg3[%get3A_638, %get3A_639] : memref<256x8448xbf16, #tpu.memory_space<vmem>>, vector<256x2816xbf16>
    %dot_general3A_641 = arith.constant dense<0.000000e+00> : vector<1024x2816xf32>
    %dot_general3A_642 = tpu.matmul %convert_element_type3A, %get3A_640, %dot_general3A_641 {dimension_numbers = #tpu.dot_dimension_numbers<[1], [0], [0], [1], [0, 0, 1, 1], [], []>, transpose_lhs_hint = false} : vector<1024x256xbf16>, vector<256x2816xbf16>, vector<1024x2816xf32> -> vector<1024x2816xf32>
    %broadcast_in_dim3A_643 = arith.constant 0x7F800000 : f32
    %broadcast_in_dim3A_644 = vector.broadcast %broadcast_in_dim3A_643 : f32 to vector<1024x128xf32>
    %broadcast_in_dim3A_645 = arith.constant 0 : i32
    %broadcast_in_dim3A_646 = vector.broadcast %broadcast_in_dim3A_645 : i32 to vector<1024x128xi32>
    %slice3A_647 = vector.extract_strided_slice %dot_general3A_642 {offsets = [0, 0], sizes = [1024, 128], strides = [1, 1]} : vector<1024x2816xf32> to vector<1024x128xf32>
    %add3A_648 = vector.broadcast %get3A_6 : vector<1024x1xf32> to vector<1024x128xf32>
    %add3A_649 = arith.addf %add3A_648, %slice3A_647 : vector<1024x128xf32>
    %get3A_650 = arith.constant 0 : index
    %get3A_651 = arith.constant 5632 : index
    %get3A_652 = vector.load %arg4[%get3A_650, %get3A_651] : memref<1x8448xf32, #tpu.memory_space<vmem>>, vector<1x128xf32>
    %add3A_653 = vector.broadcast %get3A_652 : vector<1x128xf32> to vector<1024x128xf32>
    %add3A_654 = arith.addf %add3A_649, %add3A_653 : vector<1024x128xf32>
    %lt3A_655 = arith.cmpf olt, %add3A_654, %broadcast_in_dim3A_644 : vector<1024x128xf32>
    %select_n3A_656 = arith.select %lt3A_655, %add3A_654, %broadcast_in_dim3A_644 : vector<1024x128xi1>, vector<1024x128xf32>
    %jit3A_657 = arith.constant 0 : i32
    %broadcast_in_dim3A_658 = vector.broadcast %jit3A_657 : i32 to vector<1024x128xi32>
    %select_n3A_659 = arith.select %lt3A_655, %broadcast_in_dim3A_658, %broadcast_in_dim3A_646 : vector<1024x128xi1>, vector<1024x128xi32>
    %slice3A_660 = vector.extract_strided_slice %dot_general3A_642 {offsets = [0, 128], sizes = [1024, 128], strides = [1, 1]} : vector<1024x2816xf32> to vector<1024x128xf32>
    %add3A_661 = vector.broadcast %get3A_6 : vector<1024x1xf32> to vector<1024x128xf32>
    %add3A_662 = arith.addf %add3A_661, %slice3A_660 : vector<1024x128xf32>
    %get3A_663 = arith.constant 0 : index
    %get3A_664 = arith.constant 5760 : index
    %get3A_665 = vector.load %arg4[%get3A_663, %get3A_664] : memref<1x8448xf32, #tpu.memory_space<vmem>>, vector<1x128xf32>
    %add3A_666 = vector.broadcast %get3A_665 : vector<1x128xf32> to vector<1024x128xf32>
    %add3A_667 = arith.addf %add3A_662, %add3A_666 : vector<1024x128xf32>
    %lt3A_668 = arith.cmpf olt, %add3A_667, %select_n3A_656 : vector<1024x128xf32>
    %select_n3A_669 = arith.select %lt3A_668, %add3A_667, %select_n3A_656 : vector<1024x128xi1>, vector<1024x128xf32>
    %jit3A_670 = arith.constant 1 : i32
    %broadcast_in_dim3A_671 = vector.broadcast %jit3A_670 : i32 to vector<1024x128xi32>
    %select_n3A_672 = arith.select %lt3A_668, %broadcast_in_dim3A_671, %select_n3A_659 : vector<1024x128xi1>, vector<1024x128xi32>
    %slice3A_673 = vector.extract_strided_slice %dot_general3A_642 {offsets = [0, 256], sizes = [1024, 128], strides = [1, 1]} : vector<1024x2816xf32> to vector<1024x128xf32>
    %add3A_674 = vector.broadcast %get3A_6 : vector<1024x1xf32> to vector<1024x128xf32>
    %add3A_675 = arith.addf %add3A_674, %slice3A_673 : vector<1024x128xf32>
    %get3A_676 = arith.constant 0 : index
    %get3A_677 = arith.constant 5888 : index
    %get3A_678 = vector.load %arg4[%get3A_676, %get3A_677] : memref<1x8448xf32, #tpu.memory_space<vmem>>, vector<1x128xf32>
    %add3A_679 = vector.broadcast %get3A_678 : vector<1x128xf32> to vector<1024x128xf32>
    %add3A_680 = arith.addf %add3A_675, %add3A_679 : vector<1024x128xf32>
    %lt3A_681 = arith.cmpf olt, %add3A_680, %select_n3A_669 : vector<1024x128xf32>
    %select_n3A_682 = arith.select %lt3A_681, %add3A_680, %select_n3A_669 : vector<1024x128xi1>, vector<1024x128xf32>
    %jit3A_683 = arith.constant 2 : i32
    %broadcast_in_dim3A_684 = vector.broadcast %jit3A_683 : i32 to vector<1024x128xi32>
    %select_n3A_685 = arith.select %lt3A_681, %broadcast_in_dim3A_684, %select_n3A_672 : vector<1024x128xi1>, vector<1024x128xi32>
    %slice3A_686 = vector.extract_strided_slice %dot_general3A_642 {offsets = [0, 384], sizes = [1024, 128], strides = [1, 1]} : vector<1024x2816xf32> to vector<1024x128xf32>
    %add3A_687 = vector.broadcast %get3A_6 : vector<1024x1xf32> to vector<1024x128xf32>
    %add3A_688 = arith.addf %add3A_687, %slice3A_686 : vector<1024x128xf32>
    %get3A_689 = arith.constant 0 : index
    %get3A_690 = arith.constant 6016 : index
    %get3A_691 = vector.load %arg4[%get3A_689, %get3A_690] : memref<1x8448xf32, #tpu.memory_space<vmem>>, vector<1x128xf32>
    %add3A_692 = vector.broadcast %get3A_691 : vector<1x128xf32> to vector<1024x128xf32>
    %add3A_693 = arith.addf %add3A_688, %add3A_692 : vector<1024x128xf32>
    %lt3A_694 = arith.cmpf olt, %add3A_693, %select_n3A_682 : vector<1024x128xf32>
    %select_n3A_695 = arith.select %lt3A_694, %add3A_693, %select_n3A_682 : vector<1024x128xi1>, vector<1024x128xf32>
    %jit3A_696 = arith.constant 3 : i32
    %broadcast_in_dim3A_697 = vector.broadcast %jit3A_696 : i32 to vector<1024x128xi32>
    %select_n3A_698 = arith.select %lt3A_694, %broadcast_in_dim3A_697, %select_n3A_685 : vector<1024x128xi1>, vector<1024x128xi32>
    %slice3A_699 = vector.extract_strided_slice %dot_general3A_642 {offsets = [0, 512], sizes = [1024, 128], strides = [1, 1]} : vector<1024x2816xf32> to vector<1024x128xf32>
    %add3A_700 = vector.broadcast %get3A_6 : vector<1024x1xf32> to vector<1024x128xf32>
    %add3A_701 = arith.addf %add3A_700, %slice3A_699 : vector<1024x128xf32>
    %get3A_702 = arith.constant 0 : index
    %get3A_703 = arith.constant 6144 : index
    %get3A_704 = vector.load %arg4[%get3A_702, %get3A_703] : memref<1x8448xf32, #tpu.memory_space<vmem>>, vector<1x128xf32>
    %add3A_705 = vector.broadcast %get3A_704 : vector<1x128xf32> to vector<1024x128xf32>
    %add3A_706 = arith.addf %add3A_701, %add3A_705 : vector<1024x128xf32>
    %lt3A_707 = arith.cmpf olt, %add3A_706, %select_n3A_695 : vector<1024x128xf32>
    %select_n3A_708 = arith.select %lt3A_707, %add3A_706, %select_n3A_695 : vector<1024x128xi1>, vector<1024x128xf32>
    %jit3A_709 = arith.constant 4 : i32
    %broadcast_in_dim3A_710 = vector.broadcast %jit3A_709 : i32 to vector<1024x128xi32>
    %select_n3A_711 = arith.select %lt3A_707, %broadcast_in_dim3A_710, %select_n3A_698 : vector<1024x128xi1>, vector<1024x128xi32>
    %slice3A_712 = vector.extract_strided_slice %dot_general3A_642 {offsets = [0, 640], sizes = [1024, 128], strides = [1, 1]} : vector<1024x2816xf32> to vector<1024x128xf32>
    %add3A_713 = vector.broadcast %get3A_6 : vector<1024x1xf32> to vector<1024x128xf32>
    %add3A_714 = arith.addf %add3A_713, %slice3A_712 : vector<1024x128xf32>
    %get3A_715 = arith.constant 0 : index
    %get3A_716 = arith.constant 6272 : index
    %get3A_717 = vector.load %arg4[%get3A_715, %get3A_716] : memref<1x8448xf32, #tpu.memory_space<vmem>>, vector<1x128xf32>
    %add3A_718 = vector.broadcast %get3A_717 : vector<1x128xf32> to vector<1024x128xf32>
    %add3A_719 = arith.addf %add3A_714, %add3A_718 : vector<1024x128xf32>
    %lt3A_720 = arith.cmpf olt, %add3A_719, %select_n3A_708 : vector<1024x128xf32>
    %select_n3A_721 = arith.select %lt3A_720, %add3A_719, %select_n3A_708 : vector<1024x128xi1>, vector<1024x128xf32>
    %jit3A_722 = arith.constant 5 : i32
    %broadcast_in_dim3A_723 = vector.broadcast %jit3A_722 : i32 to vector<1024x128xi32>
    %select_n3A_724 = arith.select %lt3A_720, %broadcast_in_dim3A_723, %select_n3A_711 : vector<1024x128xi1>, vector<1024x128xi32>
    %slice3A_725 = vector.extract_strided_slice %dot_general3A_642 {offsets = [0, 768], sizes = [1024, 128], strides = [1, 1]} : vector<1024x2816xf32> to vector<1024x128xf32>
    %add3A_726 = vector.broadcast %get3A_6 : vector<1024x1xf32> to vector<1024x128xf32>
    %add3A_727 = arith.addf %add3A_726, %slice3A_725 : vector<1024x128xf32>
    %get3A_728 = arith.constant 0 : index
    %get3A_729 = arith.constant 6400 : index
    %get3A_730 = vector.load %arg4[%get3A_728, %get3A_729] : memref<1x8448xf32, #tpu.memory_space<vmem>>, vector<1x128xf32>
    %add3A_731 = vector.broadcast %get3A_730 : vector<1x128xf32> to vector<1024x128xf32>
    %add3A_732 = arith.addf %add3A_727, %add3A_731 : vector<1024x128xf32>
    %lt3A_733 = arith.cmpf olt, %add3A_732, %select_n3A_721 : vector<1024x128xf32>
    %select_n3A_734 = arith.select %lt3A_733, %add3A_732, %select_n3A_721 : vector<1024x128xi1>, vector<1024x128xf32>
    %jit3A_735 = arith.constant 6 : i32
    %broadcast_in_dim3A_736 = vector.broadcast %jit3A_735 : i32 to vector<1024x128xi32>
    %select_n3A_737 = arith.select %lt3A_733, %broadcast_in_dim3A_736, %select_n3A_724 : vector<1024x128xi1>, vector<1024x128xi32>
    %slice3A_738 = vector.extract_strided_slice %dot_general3A_642 {offsets = [0, 896], sizes = [1024, 128], strides = [1, 1]} : vector<1024x2816xf32> to vector<1024x128xf32>
    %add3A_739 = vector.broadcast %get3A_6 : vector<1024x1xf32> to vector<1024x128xf32>
    %add3A_740 = arith.addf %add3A_739, %slice3A_738 : vector<1024x128xf32>
    %get3A_741 = arith.constant 0 : index
    %get3A_742 = arith.constant 6528 : index
    %get3A_743 = vector.load %arg4[%get3A_741, %get3A_742] : memref<1x8448xf32, #tpu.memory_space<vmem>>, vector<1x128xf32>
    %add3A_744 = vector.broadcast %get3A_743 : vector<1x128xf32> to vector<1024x128xf32>
    %add3A_745 = arith.addf %add3A_740, %add3A_744 : vector<1024x128xf32>
    %lt3A_746 = arith.cmpf olt, %add3A_745, %select_n3A_734 : vector<1024x128xf32>
    %select_n3A_747 = arith.select %lt3A_746, %add3A_745, %select_n3A_734 : vector<1024x128xi1>, vector<1024x128xf32>
    %jit3A_748 = arith.constant 7 : i32
    %broadcast_in_dim3A_749 = vector.broadcast %jit3A_748 : i32 to vector<1024x128xi32>
    %select_n3A_750 = arith.select %lt3A_746, %broadcast_in_dim3A_749, %select_n3A_737 : vector<1024x128xi1>, vector<1024x128xi32>
    %slice3A_751 = vector.extract_strided_slice %dot_general3A_642 {offsets = [0, 1024], sizes = [1024, 128], strides = [1, 1]} : vector<1024x2816xf32> to vector<1024x128xf32>
    %add3A_752 = vector.broadcast %get3A_6 : vector<1024x1xf32> to vector<1024x128xf32>
    %add3A_753 = arith.addf %add3A_752, %slice3A_751 : vector<1024x128xf32>
    %get3A_754 = arith.constant 0 : index
    %get3A_755 = arith.constant 6656 : index
    %get3A_756 = vector.load %arg4[%get3A_754, %get3A_755] : memref<1x8448xf32, #tpu.memory_space<vmem>>, vector<1x128xf32>
    %add3A_757 = vector.broadcast %get3A_756 : vector<1x128xf32> to vector<1024x128xf32>
    %add3A_758 = arith.addf %add3A_753, %add3A_757 : vector<1024x128xf32>
    %lt3A_759 = arith.cmpf olt, %add3A_758, %select_n3A_747 : vector<1024x128xf32>
    %select_n3A_760 = arith.select %lt3A_759, %add3A_758, %select_n3A_747 : vector<1024x128xi1>, vector<1024x128xf32>
    %jit3A_761 = arith.constant 8 : i32
    %broadcast_in_dim3A_762 = vector.broadcast %jit3A_761 : i32 to vector<1024x128xi32>
    %select_n3A_763 = arith.select %lt3A_759, %broadcast_in_dim3A_762, %select_n3A_750 : vector<1024x128xi1>, vector<1024x128xi32>
    %slice3A_764 = vector.extract_strided_slice %dot_general3A_642 {offsets = [0, 1152], sizes = [1024, 128], strides = [1, 1]} : vector<1024x2816xf32> to vector<1024x128xf32>
    %add3A_765 = vector.broadcast %get3A_6 : vector<1024x1xf32> to vector<1024x128xf32>
    %add3A_766 = arith.addf %add3A_765, %slice3A_764 : vector<1024x128xf32>
    %get3A_767 = arith.constant 0 : index
    %get3A_768 = arith.constant 6784 : index
    %get3A_769 = vector.load %arg4[%get3A_767, %get3A_768] : memref<1x8448xf32, #tpu.memory_space<vmem>>, vector<1x128xf32>
    %add3A_770 = vector.broadcast %get3A_769 : vector<1x128xf32> to vector<1024x128xf32>
    %add3A_771 = arith.addf %add3A_766, %add3A_770 : vector<1024x128xf32>
    %lt3A_772 = arith.cmpf olt, %add3A_771, %select_n3A_760 : vector<1024x128xf32>
    %select_n3A_773 = arith.select %lt3A_772, %add3A_771, %select_n3A_760 : vector<1024x128xi1>, vector<1024x128xf32>
    %jit3A_774 = arith.constant 9 : i32
    %broadcast_in_dim3A_775 = vector.broadcast %jit3A_774 : i32 to vector<1024x128xi32>
    %select_n3A_776 = arith.select %lt3A_772, %broadcast_in_dim3A_775, %select_n3A_763 : vector<1024x128xi1>, vector<1024x128xi32>
    %slice3A_777 = vector.extract_strided_slice %dot_general3A_642 {offsets = [0, 1280], sizes = [1024, 128], strides = [1, 1]} : vector<1024x2816xf32> to vector<1024x128xf32>
    %add3A_778 = vector.broadcast %get3A_6 : vector<1024x1xf32> to vector<1024x128xf32>
    %add3A_779 = arith.addf %add3A_778, %slice3A_777 : vector<1024x128xf32>
    %get3A_780 = arith.constant 0 : index
    %get3A_781 = arith.constant 6912 : index
    %get3A_782 = vector.load %arg4[%get3A_780, %get3A_781] : memref<1x8448xf32, #tpu.memory_space<vmem>>, vector<1x128xf32>
    %add3A_783 = vector.broadcast %get3A_782 : vector<1x128xf32> to vector<1024x128xf32>
    %add3A_784 = arith.addf %add3A_779, %add3A_783 : vector<1024x128xf32>
    %lt3A_785 = arith.cmpf olt, %add3A_784, %select_n3A_773 : vector<1024x128xf32>
    %select_n3A_786 = arith.select %lt3A_785, %add3A_784, %select_n3A_773 : vector<1024x128xi1>, vector<1024x128xf32>
    %jit3A_787 = arith.constant 10 : i32
    %broadcast_in_dim3A_788 = vector.broadcast %jit3A_787 : i32 to vector<1024x128xi32>
    %select_n3A_789 = arith.select %lt3A_785, %broadcast_in_dim3A_788, %select_n3A_776 : vector<1024x128xi1>, vector<1024x128xi32>
    %slice3A_790 = vector.extract_strided_slice %dot_general3A_642 {offsets = [0, 1408], sizes = [1024, 128], strides = [1, 1]} : vector<1024x2816xf32> to vector<1024x128xf32>
    %add3A_791 = vector.broadcast %get3A_6 : vector<1024x1xf32> to vector<1024x128xf32>
    %add3A_792 = arith.addf %add3A_791, %slice3A_790 : vector<1024x128xf32>
    %get3A_793 = arith.constant 0 : index
    %get3A_794 = arith.constant 7040 : index
    %get3A_795 = vector.load %arg4[%get3A_793, %get3A_794] : memref<1x8448xf32, #tpu.memory_space<vmem>>, vector<1x128xf32>
    %add3A_796 = vector.broadcast %get3A_795 : vector<1x128xf32> to vector<1024x128xf32>
    %add3A_797 = arith.addf %add3A_792, %add3A_796 : vector<1024x128xf32>
    %lt3A_798 = arith.cmpf olt, %add3A_797, %select_n3A_786 : vector<1024x128xf32>
    %select_n3A_799 = arith.select %lt3A_798, %add3A_797, %select_n3A_786 : vector<1024x128xi1>, vector<1024x128xf32>
    %jit3A_800 = arith.constant 11 : i32
    %broadcast_in_dim3A_801 = vector.broadcast %jit3A_800 : i32 to vector<1024x128xi32>
    %select_n3A_802 = arith.select %lt3A_798, %broadcast_in_dim3A_801, %select_n3A_789 : vector<1024x128xi1>, vector<1024x128xi32>
    %slice3A_803 = vector.extract_strided_slice %dot_general3A_642 {offsets = [0, 1536], sizes = [1024, 128], strides = [1, 1]} : vector<1024x2816xf32> to vector<1024x128xf32>
    %add3A_804 = vector.broadcast %get3A_6 : vector<1024x1xf32> to vector<1024x128xf32>
    %add3A_805 = arith.addf %add3A_804, %slice3A_803 : vector<1024x128xf32>
    %get3A_806 = arith.constant 0 : index
    %get3A_807 = arith.constant 7168 : index
    %get3A_808 = vector.load %arg4[%get3A_806, %get3A_807] : memref<1x8448xf32, #tpu.memory_space<vmem>>, vector<1x128xf32>
    %add3A_809 = vector.broadcast %get3A_808 : vector<1x128xf32> to vector<1024x128xf32>
    %add3A_810 = arith.addf %add3A_805, %add3A_809 : vector<1024x128xf32>
    %lt3A_811 = arith.cmpf olt, %add3A_810, %select_n3A_799 : vector<1024x128xf32>
    %select_n3A_812 = arith.select %lt3A_811, %add3A_810, %select_n3A_799 : vector<1024x128xi1>, vector<1024x128xf32>
    %jit3A_813 = arith.constant 12 : i32
    %broadcast_in_dim3A_814 = vector.broadcast %jit3A_813 : i32 to vector<1024x128xi32>
    %select_n3A_815 = arith.select %lt3A_811, %broadcast_in_dim3A_814, %select_n3A_802 : vector<1024x128xi1>, vector<1024x128xi32>
    %slice3A_816 = vector.extract_strided_slice %dot_general3A_642 {offsets = [0, 1664], sizes = [1024, 128], strides = [1, 1]} : vector<1024x2816xf32> to vector<1024x128xf32>
    %add3A_817 = vector.broadcast %get3A_6 : vector<1024x1xf32> to vector<1024x128xf32>
    %add3A_818 = arith.addf %add3A_817, %slice3A_816 : vector<1024x128xf32>
    %get3A_819 = arith.constant 0 : index
    %get3A_820 = arith.constant 7296 : index
    %get3A_821 = vector.load %arg4[%get3A_819, %get3A_820] : memref<1x8448xf32, #tpu.memory_space<vmem>>, vector<1x128xf32>
    %add3A_822 = vector.broadcast %get3A_821 : vector<1x128xf32> to vector<1024x128xf32>
    %add3A_823 = arith.addf %add3A_818, %add3A_822 : vector<1024x128xf32>
    %lt3A_824 = arith.cmpf olt, %add3A_823, %select_n3A_812 : vector<1024x128xf32>
    %select_n3A_825 = arith.select %lt3A_824, %add3A_823, %select_n3A_812 : vector<1024x128xi1>, vector<1024x128xf32>
    %jit3A_826 = arith.constant 13 : i32
    %broadcast_in_dim3A_827 = vector.broadcast %jit3A_826 : i32 to vector<1024x128xi32>
    %select_n3A_828 = arith.select %lt3A_824, %broadcast_in_dim3A_827, %select_n3A_815 : vector<1024x128xi1>, vector<1024x128xi32>
    %slice3A_829 = vector.extract_strided_slice %dot_general3A_642 {offsets = [0, 1792], sizes = [1024, 128], strides = [1, 1]} : vector<1024x2816xf32> to vector<1024x128xf32>
    %add3A_830 = vector.broadcast %get3A_6 : vector<1024x1xf32> to vector<1024x128xf32>
    %add3A_831 = arith.addf %add3A_830, %slice3A_829 : vector<1024x128xf32>
    %get3A_832 = arith.constant 0 : index
    %get3A_833 = arith.constant 7424 : index
    %get3A_834 = vector.load %arg4[%get3A_832, %get3A_833] : memref<1x8448xf32, #tpu.memory_space<vmem>>, vector<1x128xf32>
    %add3A_835 = vector.broadcast %get3A_834 : vector<1x128xf32> to vector<1024x128xf32>
    %add3A_836 = arith.addf %add3A_831, %add3A_835 : vector<1024x128xf32>
    %lt3A_837 = arith.cmpf olt, %add3A_836, %select_n3A_825 : vector<1024x128xf32>
    %select_n3A_838 = arith.select %lt3A_837, %add3A_836, %select_n3A_825 : vector<1024x128xi1>, vector<1024x128xf32>
    %jit3A_839 = arith.constant 14 : i32
    %broadcast_in_dim3A_840 = vector.broadcast %jit3A_839 : i32 to vector<1024x128xi32>
    %select_n3A_841 = arith.select %lt3A_837, %broadcast_in_dim3A_840, %select_n3A_828 : vector<1024x128xi1>, vector<1024x128xi32>
    %slice3A_842 = vector.extract_strided_slice %dot_general3A_642 {offsets = [0, 1920], sizes = [1024, 128], strides = [1, 1]} : vector<1024x2816xf32> to vector<1024x128xf32>
    %add3A_843 = vector.broadcast %get3A_6 : vector<1024x1xf32> to vector<1024x128xf32>
    %add3A_844 = arith.addf %add3A_843, %slice3A_842 : vector<1024x128xf32>
    %get3A_845 = arith.constant 0 : index
    %get3A_846 = arith.constant 7552 : index
    %get3A_847 = vector.load %arg4[%get3A_845, %get3A_846] : memref<1x8448xf32, #tpu.memory_space<vmem>>, vector<1x128xf32>
    %add3A_848 = vector.broadcast %get3A_847 : vector<1x128xf32> to vector<1024x128xf32>
    %add3A_849 = arith.addf %add3A_844, %add3A_848 : vector<1024x128xf32>
    %lt3A_850 = arith.cmpf olt, %add3A_849, %select_n3A_838 : vector<1024x128xf32>
    %select_n3A_851 = arith.select %lt3A_850, %add3A_849, %select_n3A_838 : vector<1024x128xi1>, vector<1024x128xf32>
    %jit3A_852 = arith.constant 15 : i32
    %broadcast_in_dim3A_853 = vector.broadcast %jit3A_852 : i32 to vector<1024x128xi32>
    %select_n3A_854 = arith.select %lt3A_850, %broadcast_in_dim3A_853, %select_n3A_841 : vector<1024x128xi1>, vector<1024x128xi32>
    %slice3A_855 = vector.extract_strided_slice %dot_general3A_642 {offsets = [0, 2048], sizes = [1024, 128], strides = [1, 1]} : vector<1024x2816xf32> to vector<1024x128xf32>
    %add3A_856 = vector.broadcast %get3A_6 : vector<1024x1xf32> to vector<1024x128xf32>
    %add3A_857 = arith.addf %add3A_856, %slice3A_855 : vector<1024x128xf32>
    %get3A_858 = arith.constant 0 : index
    %get3A_859 = arith.constant 7680 : index
    %get3A_860 = vector.load %arg4[%get3A_858, %get3A_859] : memref<1x8448xf32, #tpu.memory_space<vmem>>, vector<1x128xf32>
    %add3A_861 = vector.broadcast %get3A_860 : vector<1x128xf32> to vector<1024x128xf32>
    %add3A_862 = arith.addf %add3A_857, %add3A_861 : vector<1024x128xf32>
    %lt3A_863 = arith.cmpf olt, %add3A_862, %select_n3A_851 : vector<1024x128xf32>
    %select_n3A_864 = arith.select %lt3A_863, %add3A_862, %select_n3A_851 : vector<1024x128xi1>, vector<1024x128xf32>
    %jit3A_865 = arith.constant 16 : i32
    %broadcast_in_dim3A_866 = vector.broadcast %jit3A_865 : i32 to vector<1024x128xi32>
    %select_n3A_867 = arith.select %lt3A_863, %broadcast_in_dim3A_866, %select_n3A_854 : vector<1024x128xi1>, vector<1024x128xi32>
    %slice3A_868 = vector.extract_strided_slice %dot_general3A_642 {offsets = [0, 2176], sizes = [1024, 128], strides = [1, 1]} : vector<1024x2816xf32> to vector<1024x128xf32>
    %add3A_869 = vector.broadcast %get3A_6 : vector<1024x1xf32> to vector<1024x128xf32>
    %add3A_870 = arith.addf %add3A_869, %slice3A_868 : vector<1024x128xf32>
    %get3A_871 = arith.constant 0 : index
    %get3A_872 = arith.constant 7808 : index
    %get3A_873 = vector.load %arg4[%get3A_871, %get3A_872] : memref<1x8448xf32, #tpu.memory_space<vmem>>, vector<1x128xf32>
    %add3A_874 = vector.broadcast %get3A_873 : vector<1x128xf32> to vector<1024x128xf32>
    %add3A_875 = arith.addf %add3A_870, %add3A_874 : vector<1024x128xf32>
    %lt3A_876 = arith.cmpf olt, %add3A_875, %select_n3A_864 : vector<1024x128xf32>
    %select_n3A_877 = arith.select %lt3A_876, %add3A_875, %select_n3A_864 : vector<1024x128xi1>, vector<1024x128xf32>
    %jit3A_878 = arith.constant 17 : i32
    %broadcast_in_dim3A_879 = vector.broadcast %jit3A_878 : i32 to vector<1024x128xi32>
    %select_n3A_880 = arith.select %lt3A_876, %broadcast_in_dim3A_879, %select_n3A_867 : vector<1024x128xi1>, vector<1024x128xi32>
    %slice3A_881 = vector.extract_strided_slice %dot_general3A_642 {offsets = [0, 2304], sizes = [1024, 128], strides = [1, 1]} : vector<1024x2816xf32> to vector<1024x128xf32>
    %add3A_882 = vector.broadcast %get3A_6 : vector<1024x1xf32> to vector<1024x128xf32>
    %add3A_883 = arith.addf %add3A_882, %slice3A_881 : vector<1024x128xf32>
    %get3A_884 = arith.constant 0 : index
    %get3A_885 = arith.constant 7936 : index
    %get3A_886 = vector.load %arg4[%get3A_884, %get3A_885] : memref<1x8448xf32, #tpu.memory_space<vmem>>, vector<1x128xf32>
    %add3A_887 = vector.broadcast %get3A_886 : vector<1x128xf32> to vector<1024x128xf32>
    %add3A_888 = arith.addf %add3A_883, %add3A_887 : vector<1024x128xf32>
    %lt3A_889 = arith.cmpf olt, %add3A_888, %select_n3A_877 : vector<1024x128xf32>
    %select_n3A_890 = arith.select %lt3A_889, %add3A_888, %select_n3A_877 : vector<1024x128xi1>, vector<1024x128xf32>
    %jit3A_891 = arith.constant 18 : i32
    %broadcast_in_dim3A_892 = vector.broadcast %jit3A_891 : i32 to vector<1024x128xi32>
    %select_n3A_893 = arith.select %lt3A_889, %broadcast_in_dim3A_892, %select_n3A_880 : vector<1024x128xi1>, vector<1024x128xi32>
    %slice3A_894 = vector.extract_strided_slice %dot_general3A_642 {offsets = [0, 2432], sizes = [1024, 128], strides = [1, 1]} : vector<1024x2816xf32> to vector<1024x128xf32>
    %add3A_895 = vector.broadcast %get3A_6 : vector<1024x1xf32> to vector<1024x128xf32>
    %add3A_896 = arith.addf %add3A_895, %slice3A_894 : vector<1024x128xf32>
    %get3A_897 = arith.constant 0 : index
    %get3A_898 = arith.constant 8064 : index
    %get3A_899 = vector.load %arg4[%get3A_897, %get3A_898] : memref<1x8448xf32, #tpu.memory_space<vmem>>, vector<1x128xf32>
    %add3A_900 = vector.broadcast %get3A_899 : vector<1x128xf32> to vector<1024x128xf32>
    %add3A_901 = arith.addf %add3A_896, %add3A_900 : vector<1024x128xf32>
    %lt3A_902 = arith.cmpf olt, %add3A_901, %select_n3A_890 : vector<1024x128xf32>
    %select_n3A_903 = arith.select %lt3A_902, %add3A_901, %select_n3A_890 : vector<1024x128xi1>, vector<1024x128xf32>
    %jit3A_904 = arith.constant 19 : i32
    %broadcast_in_dim3A_905 = vector.broadcast %jit3A_904 : i32 to vector<1024x128xi32>
    %select_n3A_906 = arith.select %lt3A_902, %broadcast_in_dim3A_905, %select_n3A_893 : vector<1024x128xi1>, vector<1024x128xi32>
    %slice3A_907 = vector.extract_strided_slice %dot_general3A_642 {offsets = [0, 2560], sizes = [1024, 128], strides = [1, 1]} : vector<1024x2816xf32> to vector<1024x128xf32>
    %add3A_908 = vector.broadcast %get3A_6 : vector<1024x1xf32> to vector<1024x128xf32>
    %add3A_909 = arith.addf %add3A_908, %slice3A_907 : vector<1024x128xf32>
    %get3A_910 = arith.constant 0 : index
    %get3A_911 = arith.constant 8192 : index
    %get3A_912 = vector.load %arg4[%get3A_910, %get3A_911] : memref<1x8448xf32, #tpu.memory_space<vmem>>, vector<1x128xf32>
    %add3A_913 = vector.broadcast %get3A_912 : vector<1x128xf32> to vector<1024x128xf32>
    %add3A_914 = arith.addf %add3A_909, %add3A_913 : vector<1024x128xf32>
    %lt3A_915 = arith.cmpf olt, %add3A_914, %select_n3A_903 : vector<1024x128xf32>
    %select_n3A_916 = arith.select %lt3A_915, %add3A_914, %select_n3A_903 : vector<1024x128xi1>, vector<1024x128xf32>
    %jit3A_917 = arith.constant 20 : i32
    %broadcast_in_dim3A_918 = vector.broadcast %jit3A_917 : i32 to vector<1024x128xi32>
    %select_n3A_919 = arith.select %lt3A_915, %broadcast_in_dim3A_918, %select_n3A_906 : vector<1024x128xi1>, vector<1024x128xi32>
    %slice3A_920 = vector.extract_strided_slice %dot_general3A_642 {offsets = [0, 2688], sizes = [1024, 128], strides = [1, 1]} : vector<1024x2816xf32> to vector<1024x128xf32>
    %add3A_921 = vector.broadcast %get3A_6 : vector<1024x1xf32> to vector<1024x128xf32>
    %add3A_922 = arith.addf %add3A_921, %slice3A_920 : vector<1024x128xf32>
    %get3A_923 = arith.constant 0 : index
    %get3A_924 = arith.constant 8320 : index
    %get3A_925 = vector.load %arg4[%get3A_923, %get3A_924] : memref<1x8448xf32, #tpu.memory_space<vmem>>, vector<1x128xf32>
    %add3A_926 = vector.broadcast %get3A_925 : vector<1x128xf32> to vector<1024x128xf32>
    %add3A_927 = arith.addf %add3A_922, %add3A_926 : vector<1024x128xf32>
    %lt3A_928 = arith.cmpf olt, %add3A_927, %select_n3A_916 : vector<1024x128xf32>
    %select_n3A_929 = arith.select %lt3A_928, %add3A_927, %select_n3A_916 : vector<1024x128xi1>, vector<1024x128xf32>
    %jit3A_930 = arith.constant 21 : i32
    %broadcast_in_dim3A_931 = vector.broadcast %jit3A_930 : i32 to vector<1024x128xi32>
    %select_n3A_932 = arith.select %lt3A_928, %broadcast_in_dim3A_931, %select_n3A_919 : vector<1024x128xi1>, vector<1024x128xi32>
    %reduce_min3A_933 = arith.constant dense<0x7F800000> : vector<1024xf32>
    %reduce_min3A_934 = vector.multi_reduction <minimumf>, %select_n3A_929, %reduce_min3A_933 [1] : vector<1024x128xf32> to vector<1024xf32>
    %broadcast_in_dim3A_935 = vector.shape_cast %reduce_min3A_934 : vector<1024xf32> to vector<1024x1xf32>
    %mul3A_936 = arith.constant 128 : i32
    %mul3A_937 = vector.broadcast %mul3A_936 : i32 to vector<1024x128xi32>
    %mul3A_938 = arith.muli %select_n3A_932, %mul3A_937 : vector<1024x128xi32>
    %add3A_939 = arith.constant 5472 : i32
    %add3A_940 = vector.broadcast %add3A_939 : i32 to vector<1024x128xi32>
    %add3A_941 = arith.addi %iota3A, %add3A_940 : vector<1024x128xi32>
    %add3A_942 = arith.addi %mul3A_938, %add3A_941 : vector<1024x128xi32>
    %eq3A_943 = vector.broadcast %broadcast_in_dim3A_935 : vector<1024x1xf32> to vector<1024x128xf32>
    %eq3A_944 = arith.cmpf oeq, %select_n3A_929, %eq3A_943 : vector<1024x128xf32>
    %jit3A_945 = arith.constant 1073741824 : i32
    %broadcast_in_dim3A_946 = vector.broadcast %jit3A_945 : i32 to vector<1024x128xi32>
    %select_n3A_947 = arith.select %eq3A_944, %add3A_942, %broadcast_in_dim3A_946 : vector<1024x128xi1>, vector<1024x128xi32>
    %reduce_min3A_948 = arith.constant dense<2147483647> : vector<1024xi32>
    %reduce_min3A_949 = vector.multi_reduction <minsi>, %select_n3A_947, %reduce_min3A_948 [1] : vector<1024x128xi32> to vector<1024xi32>
    %broadcast_in_dim3A_950 = vector.shape_cast %reduce_min3A_949 : vector<1024xi32> to vector<1024x1xi32>
    %lt3A_951 = arith.cmpf olt, %broadcast_in_dim3A_935, %convert_element_type3A_637 : vector<1024x1xf32>
    %select_n3A_952 = arith.select %lt3A_951, %broadcast_in_dim3A_950, %select_n3A_634 : vector<1024x1xi1>, vector<1024x1xi32>
    %select_n3A_953 = arith.select %lt3A_951, %broadcast_in_dim3A_935, %convert_element_type3A_637 : vector<1024x1xi1>, vector<1024x1xf32>
    %convert_element_type3A_954 = arith.truncf %select_n3A_953 : vector<1024x1xf32> to vector<1024x1xbf16>
    %convert_element_type3A_955 = arith.extf %convert_element_type3A_954 : vector<1024x1xbf16> to vector<1024x1xf32>
    %swap3A = arith.constant 0 : index
    %swap3A_956 = arith.constant 0 : index
    %swap3A_957 = vector.load %arg5[%swap3A, %swap3A_956] : memref<1024x1xi32, #tpu.memory_space<vmem>>, vector<1024x1xi32>
    tpu.vector_store %arg5[%swap3A, %swap3A_956], %select_n3A_952 {strides = array<i32>} : memref<1024x1xi32, #tpu.memory_space<vmem>>, vector<1024x1xi32>,
    %swap3A_958 = arith.constant 0 : index
    %swap3A_959 = arith.constant 0 : index
    %swap3A_960 = vector.load %arg6[%swap3A_958, %swap3A_959] : memref<1024x1xf32, #tpu.memory_space<vmem>>, vector<1024x1xf32>
    tpu.vector_store %arg6[%swap3A_958, %swap3A_959], %convert_element_type3A_955 {strides = array<i32>} : memref<1024x1xf32, #tpu.memory_space<vmem>>, vector<1024x1xf32>,
    return
  }
  func.func @transform_0(%arg0: i32) -> (i32, i32) {
    %c0_i32 = arith.constant 0 : i32
    %c0_i32_0 = arith.constant 0 : i32
    return %arg0, %c0_i32 : i32, i32
  }
  func.func @transform_1(%arg0: i32) -> (i32, i32) {
    %c0_i32 = arith.constant 0 : i32
    %c0_i32_0 = arith.constant 0 : i32
    return %arg0, %c0_i32 : i32, i32
  }
  func.func @transform_2(%arg0: i32) -> (i32, i32) {
    %c0_i32 = arith.constant 0 : i32
    %c0_i32_0 = arith.constant 0 : i32
    %c0_i32_1 = arith.constant 0 : i32
    return %c0_i32, %c0_i32_0 : i32, i32
  }
  func.func @transform_3(%arg0: i32) -> (i32, i32) {
    %c0_i32 = arith.constant 0 : i32
    %c0_i32_0 = arith.constant 0 : i32
    %c0_i32_1 = arith.constant 0 : i32
    return %c0_i32, %c0_i32_0 : i32, i32
  }
  func.func @transform_4(%arg0: i32) -> (i32, i32) {
    %c0_i32 = arith.constant 0 : i32
    %c0_i32_0 = arith.constant 0 : i32
    return %arg0, %c0_i32 : i32, i32
  }
  func.func @transform_5(%arg0: i32) -> (i32, i32) {
    %c0_i32 = arith.constant 0 : i32
    %c0_i32_0 = arith.constant 0 : i32
    return %arg0, %c0_i32 : i32, i32
  }
}

</mosaic_0001>

<sc_bundles>
// kernel: kernel.4.cloned.1.call-start
scs
__scs_entry_jumppad:
0x0: {  	(pc) =	sbr.rel $0x88, $3  }
0x1: {  	(tag) =	ssettag $0x0;
	lr =	simm.s32 $0x1  }
0x2: {  	[smem:$0x3F9F] =	sst lr;
	_ =	strace $0xD0000000  }
0x3: {  	_ = 	snop  }
0x4: {  	_ = 	snop  }
0x5: {  	_ = 	snop  }
0x6: {  	_ = 	snop  }
0x7: {  	_ = 	snop  }
__scs_overlays_trampoline_lowered:
0x8: {  	[smem:$0x3FAE] =	sst s0  }
0x9: {  	[smem:$0x3FAF] =	sst s1  }
0xa: {  	[smem:$0x3FB0] =	sst s2  }
0xb: {  	[smem:$0x3FB1] =	sst s3  }
0xc: {  	[smem:$0x3FB2] =	sst s4  }
0xd: {  	[smem:$0x3FB3] =	sst s5  }
0xe: {  	[smem:$0x3FB4] =	sst s6  }
0xf: {  	[smem:$0x3FB5] =	sst s7  }
0x10: {  	[smem:$0x3FB6] =	sst s8  }
0x11: {  	[smem:$0x3FB7] =	sst s9;
	s0 =	simm.s32 @!p0 $0x0  }
0x12: {  	s1 =	sld [smem:$0x3F9D];
	s0 =	simm.s32 @p0 $0x1  }
0x13: {  	[smem:$0x3FB8] =	sst s0;
	s0 =	simm.s32 @!p1 $0x0  }
0x14: {  	s2 =	sld [smem:$0x3F9C];
	s0 =	simm.s32 @p1 $0x1  }
0x15: {  	[smem:$0x3FB9] =	sst s0;
	s0 =	simm.s32 @!p2 $0x0  }
0x16: {  	s3 =	sld [smem:$0x3FDB];
	s0 =	simm.s32 @p2 $0x1  }
0x17: {  	s4 =	simm.s32 $0x1BF5;
	[smem:$0x3FBB] =	sst s0  }
0x18: {  	s0 =	sld [smem:$0x3F9E];
	_ =	swait.ge [sflag:s4], $0x0  }
0x19: {  	s7 =	sld [smem:$0x3F9F]  }
0x1a: {  	s8 =	sadd.s32 $0xFFFFE003, lr  }
0x1b: {  	s9 =	sadd.s32 $0xFFFFFEF7, lr;
	s5 =	simm.s32 $0xFFFFFFFF;
	p2 =	slt.u32 s8, $0xFFFFF086  }
0x1c: {  	p1 =	slt.u32 s9, $0xF7A;
	s5 =	simm.s32 @!p2 $0x0  }
0x1d: {  	s5 =	simm.s32 @p1 $0x1;
	p0 =	seq.s32 s7, s2  }
0x1e: {  	s7 =	smul.u32 @!p0 $0xF7A, s2;
	p2 =	seq.s32 @!p0 s5, $0x0  }
0x1f: {  	s9 =	smul.u32 $0xF7A, s1;
	s8 =	simm.s32 @!p0 $0x1BF5;
	p2 =	por !p2, p0  }
0x20: {  	[sflag:s8] =	ssyncset.s32 @!p0 $0xFFFFF086;
	s6 =	sadd.s32 @!p0 s3, s7;
	s7 =	simm.s32 @!p0 $0x108  }
0x21: {  	s3 =	sadd.s32 s3, s9;
	s6 =	sadd.s32 @!p0 $0x88, s6;
	s7 =	simm.s32 @p2 $0x1082  }
0x22: {  	[simem:s7], [sflag:s8] =	dma.local @!p0 [hbm:s6], $0xF7A  }
0x23: {  	s9 =	sor.u32 $0xD0000000, s2;
	s6 =	simm.s32 $0x108;
	_ =	swait.ge @!p0 [sflag:s8], $0x0  }
0x24: {  	s3 =	sadd.s32 $0x88, s3;
	s6 =	simm.s32 @!p1 $0x1082;
	[sflag:s4] =	ssyncset.s32 $0xFFFFF086  }
0x25: {  	[simem:s6], [sflag:s4] =	dma.local [hbm:s3], $0xF7A  }
0x26: {  	[smem:$0x3F9F] =	sst s1;
	(tag) =	ssettag s2;
	_ =	strace s9  }
0x27: {  	s1 =	sld [smem:$0x3FAF]  }
0x28: {  	s2 =	sld [smem:$0x3FB0]  }
0x29: {  	s4 =	sld [smem:$0x3FB2]  }
0x2a: {  	p0 =	seq.s32 s5, $0x0;
	s5 =	sld [smem:$0x3FB3]  }
0x2b: {  	s6 =	sld [smem:$0x3FB4]  }
0x2c: {  	s7 =	sld [smem:$0x3FB5]  }
0x2d: {  	s3 =	simm.s32 $0x108;
	s8 =	sld [smem:$0x3FB6]  }
0x2e: {  	s3 =	simm.s32 @!p0 $0x1082;
	s9 =	sld [smem:$0x3FB7]  }
0x2f: {  	lr =	sadd.s32 s0, s3;
	s0 =	sld [smem:$0x3FAE]  }
0x30: {  	s3 =	sld [smem:$0x3FB1]  }
0x31: {  	[smem:$0x3FBA] =	sst s10  }
0x32: {  	s10 =	sld [smem:$0x3FB8];
	_ =	sdelay $0x3  }
0x33: {  	p0 =	seq.s32 s10, $0x1;
	s10 =	sld [smem:$0x3FBA];
	_ =	sdelay $0x3  }
0x34: {  	[smem:$0x3FBA] =	sst s10  }
0x35: {  	s10 =	sld [smem:$0x3FB9];
	_ =	sdelay $0x3  }
0x36: {  	p1 =	seq.s32 s10, $0x1;
	s10 =	sld [smem:$0x3FBA];
	_ =	sdelay $0x3  }
0x37: {  	[smem:$0x3FBA] =	sst s10  }
0x38: {  	s10 =	sld [smem:$0x3FBB]  }
0x39: {  	_ = 	snop;
	(pc) =	sbr.ind lr, $3  }
0x3a: {  	_ = 	snop  }
0x3b: {  	_ = 	snop  }
0x3c: {  	p2 =	seq.s32 s10, $0x1;
	s10 =	sld [smem:$0x3FBA]  }
0x3d: {  	_ =	shalt  }
0x3e: {  	_ =	shalt  }
0x3f: {  	_ =	shalt  }
0x40: {  	_ =	shalt  }
0x41: {  	_ =	shalt  }
0x42: {  	_ =	shalt  }
0x43: {  	_ =	shalt  }
0x44: {  	_ =	shalt  }
0x45: {  	_ =	shalt  }
0x46: {  	_ =	shalt  }
0x47: {  	_ =	shalt  }
0x48: {  	_ =	shalt  }
0x49: {  	_ =	shalt  }
0x4a: {  	_ =	shalt  }
0x4b: {  	_ =	shalt  }
0x4c: {  	_ =	shalt  }
0x4d: {  	_ =	shalt  }
0x4e: {  	_ =	shalt  }
0x4f: {  	_ =	shalt  }
0x50: {  	_ =	shalt  }
0x51: {  	_ =	shalt  }
0x52: {  	_ =	shalt  }
0x53: {  	_ =	shalt  }
0x54: {  	_ =	shalt  }
0x55: {  	_ =	shalt  }
0x56: {  	_ =	shalt  }
0x57: {  	_ =	shalt  }
0x58: {  	_ =	shalt  }
0x59: {  	_ =	shalt  }
0x5a: {  	_ =	shalt  }
0x5b: {  	_ =	shalt  }
0x5c: {  	_ =	shalt  }
0x5d: {  	_ =	shalt  }
0x5e: {  	_ =	shalt  }
0x5f: {  	_ =	shalt  }
0x60: {  	_ =	shalt  }
0x61: {  	_ =	shalt  }
0x62: {  	_ =	shalt  }
0x63: {  	_ =	shalt  }
0x64: {  	_ =	shalt  }
0x65: {  	_ =	shalt  }
0x66: {  	_ =	shalt  }
0x67: {  	_ =	shalt  }
0x68: {  	_ =	shalt  }
0x69: {  	_ =	shalt  }
0x6a: {  	_ =	shalt  }
0x6b: {  	_ =	shalt  }
0x6c: {  	_ =	shalt  }
0x6d: {  	_ =	shalt  }
0x6e: {  	_ =	shalt  }
0x6f: {  	_ =	shalt  }
0x70: {  	_ =	shalt  }
0x71: {  	_ =	shalt  }
0x72: {  	_ =	shalt  }
0x73: {  	_ =	shalt  }
0x74: {  	_ =	shalt  }
0x75: {  	_ =	shalt  }
0x76: {  	_ =	shalt  }
0x77: {  	_ =	shalt  }
0x78: {  	_ =	shalt  }
0x79: {  	_ =	shalt  }
0x7a: {  	_ =	shalt  }
0x7b: {  	_ =	shalt  }
0x7c: {  	_ =	shalt  }
0x7d: {  	_ =	shalt  }
0x7e: {  	_ =	shalt  }
0x7f: {  	_ =	shalt  }
0x80: {  	_ =	shalt  }
0x81: {  	_ =	shalt  }
0x82: {  	_ =	shalt  }
0x83: {  	_ =	shalt  }
0x84: {  	_ =	shalt  }
0x85: {  	_ =	shalt  }
0x86: {  	_ =	shalt  }
0x87: {  	_ =	shalt  }
.Lfunc_end0:
.L_simem_size_0:
called_computation_lowered:
.L_overlay_start_0:
0x88: {  	s2 =	sld [smem:$0x3FD9]  }
0x89: {  	s3 =	sld [smem:$0x3FFE];
	_ =	sdelay $0x1  }
0x8a: {  	s1 =	srdreg.scid  }
0x8b: {  	s0 =	sand.u32 $0x1, s1  }
0x8c: {  	s14 =	sshll.u32 s0, $0xA;
	s2 =	sadd.s32 s3, s2  }
0x8d: {  	s2 =	sadd.s32 s2, s14  }
0x8e: {  	[smem:$0x3FC6] =	sst s2  }
0x8f: {  	_ = 	snop  }
0x90: {  	s2 =	sld [smem:$0x3FD0];
	_ =	sdelay $0x2  }
0x91: {  	s4 =	simm.s32 $0xA;
	s5 =	simm.s32 $0x10;
	s15 =	sld [smem:$0x3FC8]  }
0x92: {  	[smem:s5], [sflag:s4] =	dma.local [hbm:s2], $0x1  }
0x93: {  	_ =	swait.eq [sflag:s4], $0x1  }
0x94: {  	[sflag:s4] =	ssyncset.done $0x0  }
0x95: {  	[sflag:s4] =	ssyncadd.s32 $0xFFFFFFFF  }
0x96: {  	s16 =	sld [smem:$0x10];
	(tm) =	ssettm $0x1  }
0x97: {  	s17 =	sld [smem:$0x3FFB];
	_ =	sdelay $0x3  }
0x98: {  	_ =	strace s17  }
0x99: {  	s4 =	sld [smem:$0x3FFC];
	_ =	sdelay $0x3  }
0x9a: {  	_ =	strace s4  }
0x9b: {  	s4 =	sld [smem:$0x3FFD];
	_ =	sdelay $0x3  }
0x9c: {  	_ =	strace s4  }
0x9d: {  	_ =	strace $0x8FFFFFFF  }
0x9e: {  	s18 =	sld [smem:$0x3FDB];
	_ =	sdelay $0x1  }
0x9f: {  	s19 =	simm.s32 $_scs_section_size  }
0xa0: {  	s6 =	simm.s32 $_size__tile_overlayer_lowered;
	s7 =	simm.s32 $_tile_overlayer_lowered  }
0xa1: {  	s22 =	simm.s32 $0x1BFF;
	s21 =	sshll.u32 s7, $0x1;
	s4 =	sadd.s32 s19, s18  }
0xa2: {  	s8 =	simm.s32 $0x0;
	s20 =	sshll.u32 s6, $0x1;
	s6 =	sadd.s32 s21, s4  }
0xa3: {  	[timem:s8], [sflag:s22] =	dma.local [hbm:s6], s20  }
0xa4: {  	_ =	swait.ge [sflag:s22], s20  }
0xa5: {  	s5 =	ssub.s32 $0x0, s20;
	[sflag:s22] =	ssyncset.done $0x0  }
0xa6: {  	[sflag:s22] =	ssyncadd.s32 s5;
	_ =	sdelay $0x1  }
0xa7: {  	s23 =	simm.s32 $0x1B8B  }
0xa8: {  	_ =	swait.ge [sflag:s23], $0x1  }
0xa9: {  	[sflag:s23] =	ssyncset.done $0x0  }
0xaa: {  	s25 =	simm.s32 $0x1B8E;
	s24 =	sld [smem:$0x3FFE];
	[sflag:s23] =	ssyncadd.s32 $0xFFFFFFFF  }
0xab: {  	s26 =	simm.s32 $execute0_lowered;
	[smem:$0x3FD2] =	sst s25  }
0xac: {  	s6 =	sshll.u32 s26, $0x1;
	_ =	strace $0x80000046;
	[dreg:$0x1] =	wrdreg $0xFFFFFFFF  }
0xad: {  	s28 =	simm.s32 $_size_execute0_lowered;
	s4 =	sadd.s32 s4, s6;
	[dreg:$0x0] =	wrdreg $0x0  }
0xae: {  	s6 =	sshll.u32 s28, $0x1;
	[dreg:$0x2] =	wrdreg s4  }
0xaf: {  	[dreg:$0x3] =	wrdreg s6  }
0xb0: {  	[dreg:$0x4] =	wrdreg $0xC0  }
0xb1: {  	_ =	task [dreg:s8], $0x5FFFF  }
0xb2: {  	[dreg:$0x1] =	wrdreg $0xFFFFFFFF  }
0xb3: {  	[dreg:$0x0] =	wrdreg $0x60  }
0xb4: {  	[dreg:$0x2] =	wrdreg s24  }
0xb5: {  	[dreg:$0x3] =	wrdreg s15  }
0xb6: {  	[dreg:$0x4] =	wrdreg s16  }
0xb7: {  	[dreg:$0x5] =	wrdreg $0x9  }
0xb8: {  	_ =	task.clear_ibuf [dreg:s8], $0x6FFFF;
	_ =	strace $0x90000046  }
0xb9: {  	s29 =	simm.s32 $0x9;
	_ =	strace $0x80000048  }
0xba: {  	_ =	swait.ge [sflag:s29], $0x1  }
0xbb: {  	[sflag:s29] =	ssyncadd.s32 $0xFFFFFFFF  }
0xbc: {  	_ =	strace $0x90000048  }
0xbd: {  	_ =	sfence  }
0xbe: {  	s30 =	sld [smem:$0x0];
	_ =	sdelay $0x2  }
0xbf: {  	s31 =	sshll.u32 s1, $0xD;
	s1 =	sshrl.u32 s1, $0x2  }
0xc0: {  	s3 =	sand.u32 $0x4000, s31;
	s1 =	sadd.s32 s1, s30  }
0xc1: {  	s0 =	sor.u32 s3, s0;
	s1 =	sshll.u32 s1, $0x11  }
0xc2: {  	s0 =	sor.u32 s1, s0  }
0xc3: {  	s0 =	sadd.s32 $0x8F2B, s0  }
0xc4: {  	[sflag:s0] =	ssyncadd.remote.s32 $0x1  }
0xc5: {  	_ =	sfence.sel $0xFFFF  }
0xc6: {  	[dreg:$0x0] =	wrdreg $0xFFFFFFFF;
	(pc) =	sbr.abs _section_cstart, $3  }
0xc7: {  	[dreg:$0x1] =	wrdreg $0xFFFFFFFF  }
0xc8: {  	_ =	task.clear_ibuf [dreg:s8], $0x2FFFF;
	_ =	strace $0x9FFFFFFF  }
0xc9: {  	(tm) =	ssettm $0x7FFFFFFF  }
tec
execute0_lowered:
.L_overlay_start_1:
0x0: {  	(tag) =	ssettag $0x1  }
0x1: {  	s0 =	rddreg [dreg:$0x0]  }
0x2: {  	s2 =	rddreg [dreg:$0x1]  }
0x3: {  	s1 =	srdreg.scid;
	s3 =	stileid.u32  }
0x4: {  	s4 =	rddreg [dreg:$0x2];
	s28 =	simm.s32 $0x8900;
	s29 =	simm.s32 $0x9100  }
0x5: {  	s30 =	simm.s32 $0x9900;
	s1 =	sand.u32 $0x1, s1;
	s5 =	sshll.u32 s3, $0x1  }
0x6: {  	s31 =	simm.s32 $0xA100;
	s3 =	simm.s32 $0x0;
	s5 =	sor.u32 s1, s5  }
0x7: {  	s0 =	sadd.s32 $0x400, s0;
	s1 =	ssub.s32 $0x2, s1;
	s6 =	smul.u32 $0x240, s5  }
0x8: {  	[smem:$0x7FF] =	sst s3;
	s5 =	smul.u32 $0x4800, s5;
	s19 =	sshrl.u32 s1, $0x1  }
0x9: {  	_ =	strace $0x80000047;
	s1 =	ssub.s32 s1, s19;
	s19 =	simm.s32 $0x100  }
0xa: {  	s7 =	sshrl.u32 s6, $0x3;
	s8 =	sadd.s32 $0x60, s6;
	s5 =	sadd.s32 s4, s5  }
0xb: {  	s11 =	sadd.s32 $0xC0, s6;
	s13 =	sadd.s32 $0x120, s6;
	s18 =	sadd.s32 $0x180, s6  }
0xc: {  	s6 =	sadd.s32 $0x1E0, s6;
	s7 =	sadd.s32 s0, s7;
	s9 =	sshrl.u32 s8, $0x3  }
0xd: {  	[dreg:$0x6] =	wrdreg s5;
	s12 =	sshrl.u32 s11, $0x3;
	s8 =	sshll.u32 s8, $0x5  }
0xe: {  	s15 =	sshrl.u32 s13, $0x3;
	s20 =	sshrl.u32 s18, $0x3;
	s22 =	sshrl.u32 s6, $0x3  }
0xf: {  	s23 =	sshll.u32 s18, $0x5;
	s25 =	sshll.u32 s6, $0x5;
	s18 =	simm.s32 $0x4900  }
0x10: {  	s6 =	simm.s32 $0x6100;
	[dreg:$0x4] =	wrdreg s7;
	s10 =	sadd.s32 s0, s9  }
0x11: {  	s5 =	sadd.s32 s0, s12;
	s14 =	sadd.s32 s4, s8;
	s16 =	sadd.s32 s0, s15  }
0x12: {  	s7 =	sshll.u32 s11, $0x5;
	s9 =	sshll.u32 s13, $0x5;
	s24 =	sadd.s32 s4, s23  }
0x13: {  	s26 =	sadd.s32 s4, s25;
	s8 =	simm.s32 $0x4;
	[dreg:$0x5] =	wrdreg s10  }
0x14: {  	s11 =	simm.s32 $0x1100;
	s12 =	simm.s32 $0x1900;
	[dreg:$0x7] =	wrdreg s5  }
0x15: {  	s13 =	simm.s32 $0x2100;
	s15 =	simm.s32 $0x3100;
	[dreg:$0x8] =	wrdreg s14  }
0x16: {  	s23 =	simm.s32 $0x6900;
	s25 =	simm.s32 $0x7900;
	[dreg:$0x9] =	wrdreg s16  }
0x17: {  	s17 =	sadd.s32 s4, s7;
	s5 =	sadd.s32 s0, s20;
	[dreg:$0xe] =	wrdreg s24  }
0x18: {  	s21 =	sadd.s32 s4, s9;
	s0 =	sadd.s32 s0, s22;
	[dreg:$0xf] =	wrdreg s26  }
0x19: {  	s4 =	smax.u32 s1, $0x1;
	s1 =	simm.s32 $0x1;
	s7 =	simm.s32 $0x2  }
0x1a: {  	s10 =	simm.s32 $0x900;
	s14 =	simm.s32 $0x2900;
	[dreg:$0xa] =	wrdreg s17  }
0x1b: {  	s16 =	simm.s32 $0x3900;
	s20 =	simm.s32 $0x5100;
	[dreg:$0xb] =	wrdreg s5  }
0x1c: {  	v2 =	vlaneseq.u32;
	s22 =	simm.s32 $0x80;
	s24 =	simm.s32 $0x7100;
	[dreg:$0xc] =	wrdreg s21  }
0x1d: {  	vm0 =	vmmov $0xffff;
	v1 =	vshrl.u32 v2, $0x3;
	s26 =	simm.s32 $0x8100;
	[dreg:$0xd] =	wrdreg s0;
	s5 =	simm.s32 $0x5  }
0x1e: {  	v0 =	vand.u32 $0x7, v2;
	v2 =	vor.u32 $0x8, v2;
	v1 =	vmul.u32 $0x8, v1;
	s0 =	simm.s32 $0x3;
	s17 =	simm.s32 $0x4100;
	s21 =	simm.s32 $0x5900  }
.LBB2_1:
0x1f: {  	s9 =	rddreg [dreg:$0x4]  }
0x20: {  	[tilespmem:s3], [sflag:$0x5] =	stream.linear.gather [hbm4b:s9+s3], $0x60, $0x38;
	[tilespmem:$0xC100] =	vst v63  }
0x21: {  	_ =	swait.ge [sflag:s5], $0x60  }
0x22: {  	[sflag:s5] =	ssyncset.done $0x0  }
0x23: {  	[sflag:s5] =	ssyncadd.s32 $0xFFFFFFA0  }
0x24: {  	v3 =	vld [tilespmem:$0x0];
	_ =	sdelay $0x4  }
0x25: {  	v4 =	vshll.u32 v3, $0x1  }
0x26: {  	v3 =	vand.u32 $0x7, v3;
	v4 =	vand.u32 $0xFFFFFFF0, v4  }
0x27: {  	v3 =	vor.u32 v3, v4  }
0x28: {  	v4 =	vperm.xlane v3, v0;
	_ =	sdelay $0x1  }
0x29: {  	v3 =	vperm.xlane v3, v2;
	v4 =	vadd.s32 v1, v4;
	_ =	sdelay $0x1  }
0x2a: {  	v3 =	vadd.s32 v1, v3;
	_ =	sdelay $0x2  }
0x2b: {  	[tilespmem:s19], [sflag:$0x1] =	stream.indirect_vreg.gather [hbm4b:s2+s3], $0x80, v4, vm0, $0xb8;
	[tilespmem:$0xC100] =	vst v63  }
0x2c: {  	_ = 	snop  }
0x2d: {  	[tilespmem:s10], [sflag:$0x1] =	stream.indirect_vreg.gather [hbm4b:s2+s3], $0x80, v3, vm0, $0xb8;
	[tilespmem:$0xC100] =	vst v63  }
0x2e: {  	v3 =	vld [tilespmem:$0x10];
	_ =	sdelay $0x4  }
0x2f: {  	v29 =	vshll.u32 v3, $0x1  }
0x30: {  	v3 =	vand.u32 $0x7, v3;
	v4 =	vand.u32 $0xFFFFFFF0, v29  }
0x31: {  	v3 =	vor.u32 v3, v4  }
0x32: {  	v4 =	vperm.xlane v3, v0;
	_ =	sdelay $0x1  }
0x33: {  	v3 =	vperm.xlane v3, v2;
	v4 =	vadd.s32 v1, v4;
	_ =	sdelay $0x1  }
0x34: {  	v3 =	vadd.s32 v1, v3;
	_ =	sdelay $0x2  }
0x35: {  	[tilespmem:s11], [sflag:$0x1] =	stream.indirect_vreg.gather [hbm4b:s2+s3], $0x80, v4, vm0, $0xb8;
	[tilespmem:$0xC100] =	vst v63  }
0x36: {  	_ = 	snop  }
0x37: {  	[tilespmem:s12], [sflag:$0x1] =	stream.indirect_vreg.gather [hbm4b:s2+s3], $0x80, v3, vm0, $0xb8;
	[tilespmem:$0xC100] =	vst v63  }
0x38: {  	v3 =	vld [tilespmem:$0x20];
	_ =	sdelay $0x4  }
0x39: {  	v30 =	vshll.u32 v3, $0x1  }
0x3a: {  	v3 =	vand.u32 $0x7, v3;
	v4 =	vand.u32 $0xFFFFFFF0, v30  }
0x3b: {  	v3 =	vor.u32 v3, v4  }
0x3c: {  	v4 =	vperm.xlane v3, v0;
	_ =	sdelay $0x1  }
0x3d: {  	v3 =	vperm.xlane v3, v2;
	v4 =	vadd.s32 v1, v4;
	_ =	sdelay $0x1  }
0x3e: {  	v3 =	vadd.s32 v1, v3;
	_ =	sdelay $0x2  }
0x3f: {  	[tilespmem:s13], [sflag:$0x1] =	stream.indirect_vreg.gather [hbm4b:s2+s3], $0x80, v4, vm0, $0xb8;
	[tilespmem:$0xC100] =	vst v63  }
0x40: {  	_ = 	snop  }
0x41: {  	[tilespmem:s14], [sflag:$0x1] =	stream.indirect_vreg.gather [hbm4b:s2+s3], $0x80, v3, vm0, $0xb8;
	[tilespmem:$0xC100] =	vst v63  }
0x42: {  	v3 =	vld [tilespmem:$0x30];
	_ =	sdelay $0x4  }
0x43: {  	v31 =	vshll.u32 v3, $0x1  }
0x44: {  	v3 =	vand.u32 $0x7, v3;
	v4 =	vand.u32 $0xFFFFFFF0, v31  }
0x45: {  	v3 =	vor.u32 v3, v4  }
0x46: {  	v4 =	vperm.xlane v3, v0;
	_ =	sdelay $0x1  }
0x47: {  	v3 =	vperm.xlane v3, v2;
	v4 =	vadd.s32 v1, v4;
	_ =	sdelay $0x1  }
0x48: {  	v3 =	vadd.s32 v1, v3;
	_ =	sdelay $0x2  }
0x49: {  	[tilespmem:s15], [sflag:$0x1] =	stream.indirect_vreg.gather [hbm4b:s2+s3], $0x80, v4, vm0, $0xb8;
	[tilespmem:$0xC100] =	vst v63  }
0x4a: {  	_ = 	snop  }
0x4b: {  	[tilespmem:s16], [sflag:$0x1] =	stream.indirect_vreg.gather [hbm4b:s2+s3], $0x80, v3, vm0, $0xb8;
	[tilespmem:$0xC100] =	vst v63  }
0x4c: {  	v3 =	vld [tilespmem:$0x40];
	_ =	sdelay $0x4  }
0x4d: {  	v32 =	vshll.u32 v3, $0x1  }
0x4e: {  	v3 =	vand.u32 $0x7, v3;
	v4 =	vand.u32 $0xFFFFFFF0, v32  }
0x4f: {  	v3 =	vor.u32 v3, v4  }
0x50: {  	v4 =	vperm.xlane v3, v0;
	_ =	sdelay $0x1  }
0x51: {  	v3 =	vperm.xlane v3, v2;
	v4 =	vadd.s32 v1, v4;
	_ =	sdelay $0x1  }
0x52: {  	v3 =	vadd.s32 v1, v3;
	_ =	sdelay $0x2  }
0x53: {  	[tilespmem:s17], [sflag:$0x1] =	stream.indirect_vreg.gather [hbm4b:s2+s3], $0x80, v4, vm0, $0xb8;
	[tilespmem:$0xC100] =	vst v63  }
0x54: {  	_ = 	snop  }
0x55: {  	[tilespmem:s18], [sflag:$0x1] =	stream.indirect_vreg.gather [hbm4b:s2+s3], $0x80, v3, vm0, $0xb8;
	[tilespmem:$0xC100] =	vst v63  }
0x56: {  	v3 =	vld [tilespmem:$0x50];
	_ =	sdelay $0x4  }
0x57: {  	v33 =	vshll.u32 v3, $0x1  }
0x58: {  	v3 =	vand.u32 $0x7, v3;
	v4 =	vand.u32 $0xFFFFFFF0, v33  }
0x59: {  	v3 =	vor.u32 v3, v4  }
0x5a: {  	v4 =	vperm.xlane v3, v0;
	_ =	sdelay $0x1  }
0x5b: {  	v3 =	vperm.xlane v3, v2;
	v4 =	vadd.s32 v1, v4;
	_ =	sdelay $0x1  }
0x5c: {  	v3 =	vadd.s32 v1, v3;
	_ =	sdelay $0x2  }
0x5d: {  	[tilespmem:s20], [sflag:$0x1] =	stream.indirect_vreg.gather [hbm4b:s2+s3], $0x80, v4, vm0, $0xb8;
	[tilespmem:$0xC100] =	vst v63  }
0x5e: {  	_ = 	snop  }
0x5f: {  	[tilespmem:s21], [sflag:$0x1] =	stream.indirect_vreg.gather [hbm4b:s2+s3], $0x80, v3, vm0, $0xb8;
	[tilespmem:$0xC100] =	vst v63  }
0x60: {  	s9 =	rddreg [dreg:$0x5]  }
0x61: {  	[tilespmem:s22], [sflag:$0x5] =	stream.linear.gather [hbm4b:s9+s3], $0x60, $0x38;
	[tilespmem:$0xC100] =	vst v63  }
0x62: {  	_ =	swait.ge [sflag:s5], $0x60  }
0x63: {  	[sflag:s5] =	ssyncset.done $0x0  }
0x64: {  	[sflag:s5] =	ssyncadd.s32 $0xFFFFFFA0  }
0x65: {  	v3 =	vld [tilespmem:$0x80];
	_ =	sdelay $0x4  }
0x66: {  	v34 =	vshll.u32 v3, $0x1  }
0x67: {  	v3 =	vand.u32 $0x7, v3;
	v4 =	vand.u32 $0xFFFFFFF0, v34  }
0x68: {  	v3 =	vor.u32 v3, v4  }
0x69: {  	v4 =	vperm.xlane v3, v0;
	_ =	sdelay $0x1  }
0x6a: {  	v3 =	vperm.xlane v3, v2;
	v4 =	vadd.s32 v1, v4;
	_ =	sdelay $0x1  }
0x6b: {  	v3 =	vadd.s32 v1, v3;
	_ =	sdelay $0x2  }
0x6c: {  	[tilespmem:s6], [sflag:$0x2] =	stream.indirect_vreg.gather [hbm4b:s2+s3], $0x80, v4, vm0, $0xb8;
	[tilespmem:$0xC100] =	vst v63  }
0x6d: {  	_ = 	snop  }
0x6e: {  	[tilespmem:s23], [sflag:$0x2] =	stream.indirect_vreg.gather [hbm4b:s2+s3], $0x80, v3, vm0, $0xb8;
	[tilespmem:$0xC100] =	vst v63  }
0x6f: {  	v3 =	vld [tilespmem:$0x90];
	_ =	sdelay $0x4  }
0x70: {  	v35 =	vshll.u32 v3, $0x1  }
0x71: {  	v3 =	vand.u32 $0x7, v3;
	v4 =	vand.u32 $0xFFFFFFF0, v35  }
0x72: {  	v3 =	vor.u32 v3, v4  }
0x73: {  	v4 =	vperm.xlane v3, v0;
	_ =	sdelay $0x1  }
0x74: {  	v3 =	vperm.xlane v3, v2;
	v4 =	vadd.s32 v1, v4;
	_ =	sdelay $0x1  }
0x75: {  	v3 =	vadd.s32 v1, v3;
	_ =	sdelay $0x2  }
0x76: {  	[tilespmem:s24], [sflag:$0x2] =	stream.indirect_vreg.gather [hbm4b:s2+s3], $0x80, v4, vm0, $0xb8;
	[tilespmem:$0xC100] =	vst v63  }
0x77: {  	_ = 	snop  }
0x78: {  	[tilespmem:s25], [sflag:$0x2] =	stream.indirect_vreg.gather [hbm4b:s2+s3], $0x80, v3, vm0, $0xb8;
	[tilespmem:$0xC100] =	vst v63  }
0x79: {  	v3 =	vld [tilespmem:$0xA0];
	_ =	sdelay $0x4  }
0x7a: {  	v36 =	vshll.u32 v3, $0x1  }
0x7b: {  	v3 =	vand.u32 $0x7, v3;
	v4 =	vand.u32 $0xFFFFFFF0, v36  }
0x7c: {  	v3 =	vor.u32 v3, v4  }
0x7d: {  	v4 =	vperm.xlane v3, v0;
	_ =	sdelay $0x1  }
0x7e: {  	v3 =	vperm.xlane v3, v2;
	v4 =	vadd.s32 v1, v4;
	_ =	sdelay $0x1  }
0x7f: {  	v3 =	vadd.s32 v1, v3;
	_ =	sdelay $0x2  }
0x80: {  	[tilespmem:s26], [sflag:$0x2] =	stream.indirect_vreg.gather [hbm4b:s2+s3], $0x80, v4, vm0, $0xb8;
	[tilespmem:$0xC100] =	vst v63  }
0x81: {  	_ = 	snop  }
0x82: {  	[tilespmem:s28], [sflag:$0x2] =	stream.indirect_vreg.gather [hbm4b:s2+s3], $0x80, v3, vm0, $0xb8;
	[tilespmem:$0xC100] =	vst v63  }
0x83: {  	v3 =	vld [tilespmem:$0xB0];
	_ =	sdelay $0x4  }
0x84: {  	v37 =	vshll.u32 v3, $0x1  }
0x85: {  	v3 =	vand.u32 $0x7, v3;
	v4 =	vand.u32 $0xFFFFFFF0, v37  }
0x86: {  	v3 =	vor.u32 v3, v4  }
0x87: {  	v4 =	vperm.xlane v3, v0;
	_ =	sdelay $0x1  }
0x88: {  	v3 =	vperm.xlane v3, v2;
	v4 =	vadd.s32 v1, v4;
	_ =	sdelay $0x1  }
0x89: {  	v3 =	vadd.s32 v1, v3;
	_ =	sdelay $0x2  }
0x8a: {  	[tilespmem:s29], [sflag:$0x2] =	stream.indirect_vreg.gather [hbm4b:s2+s3], $0x80, v4, vm0, $0xb8;
	[tilespmem:$0xC100] =	vst v63  }
0x8b: {  	_ = 	snop  }
0x8c: {  	[tilespmem:s30], [sflag:$0x2] =	stream.indirect_vreg.gather [hbm4b:s2+s3], $0x80, v3, vm0, $0xb8;
	[tilespmem:$0xC100] =	vst v63  }
0x8d: {  	v3 =	vld [tilespmem:$0xC0];
	_ =	sdelay $0x4  }
0x8e: {  	v38 =	vshll.u32 v3, $0x1  }
0x8f: {  	v3 =	vand.u32 $0x7, v3;
	v4 =	vand.u32 $0xFFFFFFF0, v38  }
0x90: {  	v3 =	vor.u32 v3, v4  }
0x91: {  	v4 =	vperm.xlane v3, v0;
	_ =	sdelay $0x1  }
0x92: {  	v3 =	vperm.xlane v3, v2;
	v4 =	vadd.s32 v1, v4;
	_ =	sdelay $0x1  }
0x93: {  	v3 =	vadd.s32 v1, v3;
	_ =	sdelay $0x2  }
0x94: {  	[tilespmem:s31], [sflag:$0x2] =	stream.indirect_vreg.gather [hbm4b:s2+s3], $0x80, v4, vm0, $0xb8;
	[tilespmem:$0xC100] =	vst v63  }
0x95: {  	s9 =	simm.s32 $0xA900  }
0x96: {  	[tilespmem:s9], [sflag:$0x2] =	stream.indirect_vreg.gather [hbm4b:s2+s3], $0x80, v3, vm0, $0xb8;
	[tilespmem:$0xC100] =	vst v63  }
0x97: {  	v3 =	vld [tilespmem:$0xD0];
	_ =	sdelay $0x4  }
0x98: {  	v39 =	vshll.u32 v3, $0x1  }
0x99: {  	v3 =	vand.u32 $0x7, v3;
	v4 =	vand.u32 $0xFFFFFFF0, v39  }
0x9a: {  	v3 =	vor.u32 v3, v4  }
0x9b: {  	v4 =	vperm.xlane v3, v0;
	_ =	sdelay $0x1  }
0x9c: {  	v3 =	vperm.xlane v3, v2;
	v4 =	vadd.s32 v1, v4;
	_ =	sdelay $0x1  }
0x9d: {  	v3 =	vadd.s32 v1, v3;
	_ =	sdelay $0x1  }
0x9e: {  	s9 =	simm.s32 $0xB100  }
0x9f: {  	[tilespmem:s9], [sflag:$0x2] =	stream.indirect_vreg.gather [hbm4b:s2+s3], $0x80, v4, vm0, $0xb8;
	[tilespmem:$0xC100] =	vst v63  }
0xa0: {  	s9 =	simm.s32 $0xB900  }
0xa1: {  	[tilespmem:s9], [sflag:$0x2] =	stream.indirect_vreg.gather [hbm4b:s2+s3], $0x80, v3, vm0, $0xb8;
	[tilespmem:$0xC100] =	vst v63  }
0xa2: {  	_ =	swait.ge [sflag:s1], $0x6000  }
0xa3: {  	[sflag:s1] =	ssyncset.done $0x0  }
0xa4: {  	s9 =	rddreg [dreg:$0x6];
	[sflag:s1] =	ssyncadd.s32 $0xFFFFA000  }
0xa5: {  	[hbm4b:s9+s3] =	stream.linear.scatter [tilespmem:s19], [sflag:$0x3], $0x6000, $0x38;
	[tilespmem:$0xC100] =	vst v63  }
0xa6: {  	_ =	swait.ge [sflag:s0], $0x6000  }
0xa7: {  	[sflag:s0] =	ssyncset.done $0x0  }
0xa8: {  	s9 =	rddreg [dreg:$0x7];
	[sflag:s0] =	ssyncadd.s32 $0xFFFFA000  }
0xa9: {  	[tilespmem:s3], [sflag:$0x5] =	stream.linear.gather [hbm4b:s9+s3], $0x60, $0x38;
	[tilespmem:$0xC100] =	vst v63  }
0xaa: {  	_ =	swait.ge [sflag:s5], $0x60  }
0xab: {  	[sflag:s5] =	ssyncset.done $0x0  }
0xac: {  	[sflag:s5] =	ssyncadd.s32 $0xFFFFFFA0  }
0xad: {  	v3 =	vld [tilespmem:$0x0];
	_ =	sdelay $0x4  }
0xae: {  	v40 =	vshll.u32 v3, $0x1  }
0xaf: {  	v3 =	vand.u32 $0x7, v3;
	v4 =	vand.u32 $0xFFFFFFF0, v40  }
0xb0: {  	v3 =	vor.u32 v3, v4  }
0xb1: {  	v4 =	vperm.xlane v3, v0;
	_ =	sdelay $0x1  }
0xb2: {  	v3 =	vperm.xlane v3, v2;
	v4 =	vadd.s32 v1, v4;
	_ =	sdelay $0x1  }
0xb3: {  	v3 =	vadd.s32 v1, v3;
	_ =	sdelay $0x2  }
0xb4: {  	[tilespmem:s19], [sflag:$0x1] =	stream.indirect_vreg.gather [hbm4b:s2+s3], $0x80, v4, vm0, $0xb8;
	[tilespmem:$0xC100] =	vst v63  }
0xb5: {  	_ = 	snop  }
0xb6: {  	[tilespmem:s10], [sflag:$0x1] =	stream.indirect_vreg.gather [hbm4b:s2+s3], $0x80, v3, vm0, $0xb8;
	[tilespmem:$0xC100] =	vst v63  }
0xb7: {  	v3 =	vld [tilespmem:$0x10];
	_ =	sdelay $0x4  }
0xb8: {  	v41 =	vshll.u32 v3, $0x1  }
0xb9: {  	v3 =	vand.u32 $0x7, v3;
	v4 =	vand.u32 $0xFFFFFFF0, v41  }
0xba: {  	v3 =	vor.u32 v3, v4  }
0xbb: {  	v4 =	vperm.xlane v3, v0;
	_ =	sdelay $0x1  }
0xbc: {  	v3 =	vperm.xlane v3, v2;
	v4 =	vadd.s32 v1, v4;
	_ =	sdelay $0x1  }
0xbd: {  	v3 =	vadd.s32 v1, v3;
	_ =	sdelay $0x2  }
0xbe: {  	[tilespmem:s11], [sflag:$0x1] =	stream.indirect_vreg.gather [hbm4b:s2+s3], $0x80, v4, vm0, $0xb8;
	[tilespmem:$0xC100] =	vst v63  }
0xbf: {  	_ = 	snop  }
0xc0: {  	[tilespmem:s12], [sflag:$0x1] =	stream.indirect_vreg.gather [hbm4b:s2+s3], $0x80, v3, vm0, $0xb8;
	[tilespmem:$0xC100] =	vst v63  }
0xc1: {  	v3 =	vld [tilespmem:$0x20];
	_ =	sdelay $0x4  }
0xc2: {  	v42 =	vshll.u32 v3, $0x1  }
0xc3: {  	v3 =	vand.u32 $0x7, v3;
	v4 =	vand.u32 $0xFFFFFFF0, v42  }
0xc4: {  	v3 =	vor.u32 v3, v4  }
0xc5: {  	v4 =	vperm.xlane v3, v0;
	_ =	sdelay $0x1  }
0xc6: {  	v3 =	vperm.xlane v3, v2;
	v4 =	vadd.s32 v1, v4;
	_ =	sdelay $0x1  }
0xc7: {  	v3 =	vadd.s32 v1, v3;
	_ =	sdelay $0x2  }
0xc8: {  	[tilespmem:s13], [sflag:$0x1] =	stream.indirect_vreg.gather [hbm4b:s2+s3], $0x80, v4, vm0, $0xb8;
	[tilespmem:$0xC100] =	vst v63  }
0xc9: {  	_ = 	snop  }
0xca: {  	[tilespmem:s14], [sflag:$0x1] =	stream.indirect_vreg.gather [hbm4b:s2+s3], $0x80, v3, vm0, $0xb8;
	[tilespmem:$0xC100] =	vst v63  }
0xcb: {  	v3 =	vld [tilespmem:$0x30];
	_ =	sdelay $0x4  }
0xcc: {  	v43 =	vshll.u32 v3, $0x1  }
0xcd: {  	v3 =	vand.u32 $0x7, v3;
	v4 =	vand.u32 $0xFFFFFFF0, v43  }
0xce: {  	v3 =	vor.u32 v3, v4  }
0xcf: {  	v4 =	vperm.xlane v3, v0;
	_ =	sdelay $0x1  }
0xd0: {  	v3 =	vperm.xlane v3, v2;
	v4 =	vadd.s32 v1, v4;
	_ =	sdelay $0x1  }
0xd1: {  	v3 =	vadd.s32 v1, v3;
	_ =	sdelay $0x2  }
0xd2: {  	[tilespmem:s15], [sflag:$0x1] =	stream.indirect_vreg.gather [hbm4b:s2+s3], $0x80, v4, vm0, $0xb8;
	[tilespmem:$0xC100] =	vst v63  }
0xd3: {  	_ = 	snop  }
0xd4: {  	[tilespmem:s16], [sflag:$0x1] =	stream.indirect_vreg.gather [hbm4b:s2+s3], $0x80, v3, vm0, $0xb8;
	[tilespmem:$0xC100] =	vst v63  }
0xd5: {  	v3 =	vld [tilespmem:$0x40];
	_ =	sdelay $0x4  }
0xd6: {  	v44 =	vshll.u32 v3, $0x1  }
0xd7: {  	v3 =	vand.u32 $0x7, v3;
	v4 =	vand.u32 $0xFFFFFFF0, v44  }
0xd8: {  	v3 =	vor.u32 v3, v4  }
0xd9: {  	v4 =	vperm.xlane v3, v0;
	_ =	sdelay $0x1  }
0xda: {  	v3 =	vperm.xlane v3, v2;
	v4 =	vadd.s32 v1, v4;
	_ =	sdelay $0x1  }
0xdb: {  	v3 =	vadd.s32 v1, v3;
	_ =	sdelay $0x2  }
0xdc: {  	[tilespmem:s17], [sflag:$0x1] =	stream.indirect_vreg.gather [hbm4b:s2+s3], $0x80, v4, vm0, $0xb8;
	[tilespmem:$0xC100] =	vst v63  }
0xdd: {  	_ = 	snop  }
0xde: {  	[tilespmem:s18], [sflag:$0x1] =	stream.indirect_vreg.gather [hbm4b:s2+s3], $0x80, v3, vm0, $0xb8;
	[tilespmem:$0xC100] =	vst v63  }
0xdf: {  	v3 =	vld [tilespmem:$0x50];
	_ =	sdelay $0x4  }
0xe0: {  	v45 =	vshll.u32 v3, $0x1  }
0xe1: {  	v3 =	vand.u32 $0x7, v3;
	v4 =	vand.u32 $0xFFFFFFF0, v45  }
0xe2: {  	v3 =	vor.u32 v3, v4  }
0xe3: {  	v4 =	vperm.xlane v3, v0;
	_ =	sdelay $0x1  }
0xe4: {  	v3 =	vperm.xlane v3, v2;
	v4 =	vadd.s32 v1, v4;
	_ =	sdelay $0x1  }
0xe5: {  	v3 =	vadd.s32 v1, v3;
	_ =	sdelay $0x2  }
0xe6: {  	[tilespmem:s20], [sflag:$0x1] =	stream.indirect_vreg.gather [hbm4b:s2+s3], $0x80, v4, vm0, $0xb8;
	[tilespmem:$0xC100] =	vst v63  }
0xe7: {  	_ = 	snop  }
0xe8: {  	[tilespmem:s21], [sflag:$0x1] =	stream.indirect_vreg.gather [hbm4b:s2+s3], $0x80, v3, vm0, $0xb8;
	[tilespmem:$0xC100] =	vst v63  }
0xe9: {  	_ =	swait.ge [sflag:s7], $0x6000  }
0xea: {  	[sflag:s7] =	ssyncset.done $0x0  }
0xeb: {  	s9 =	rddreg [dreg:$0x8];
	[sflag:s7] =	ssyncadd.s32 $0xFFFFA000  }
0xec: {  	[hbm4b:s9+s3] =	stream.linear.scatter [tilespmem:s6], [sflag:$0x4], $0x6000, $0x38;
	[tilespmem:$0xC100] =	vst v63  }
0xed: {  	_ =	swait.ge [sflag:s8], $0x6000  }
0xee: {  	[sflag:s8] =	ssyncset.done $0x0  }
0xef: {  	s9 =	rddreg [dreg:$0x9];
	[sflag:s8] =	ssyncadd.s32 $0xFFFFA000  }
0xf0: {  	[tilespmem:s22], [sflag:$0x5] =	stream.linear.gather [hbm4b:s9+s3], $0x60, $0x38;
	[tilespmem:$0xC100] =	vst v63  }
0xf1: {  	_ =	swait.ge [sflag:s5], $0x60  }
0xf2: {  	[sflag:s5] =	ssyncset.done $0x0  }
0xf3: {  	[sflag:s5] =	ssyncadd.s32 $0xFFFFFFA0  }
0xf4: {  	v3 =	vld [tilespmem:$0x80];
	_ =	sdelay $0x4  }
0xf5: {  	v46 =	vshll.u32 v3, $0x1  }
0xf6: {  	v3 =	vand.u32 $0x7, v3;
	v4 =	vand.u32 $0xFFFFFFF0, v46  }
0xf7: {  	v3 =	vor.u32 v3, v4  }
0xf8: {  	v4 =	vperm.xlane v3, v0;
	_ =	sdelay $0x1  }
0xf9: {  	v3 =	vperm.xlane v3, v2;
	v4 =	vadd.s32 v1, v4;
	_ =	sdelay $0x1  }
0xfa: {  	v3 =	vadd.s32 v1, v3;
	_ =	sdelay $0x2  }
0xfb: {  	[tilespmem:s6], [sflag:$0x2] =	stream.indirect_vreg.gather [hbm4b:s2+s3], $0x80, v4, vm0, $0xb8;
	[tilespmem:$0xC100] =	vst v63  }
0xfc: {  	_ = 	snop  }
0xfd: {  	[tilespmem:s23], [sflag:$0x2] =	stream.indirect_vreg.gather [hbm4b:s2+s3], $0x80, v3, vm0, $0xb8;
	[tilespmem:$0xC100] =	vst v63  }
0xfe: {  	v3 =	vld [tilespmem:$0x90];
	_ =	sdelay $0x4  }
0xff: {  	v47 =	vshll.u32 v3, $0x1  }
0x100: {  	v3 =	vand.u32 $0x7, v3;
	v4 =	vand.u32 $0xFFFFFFF0, v47  }
0x101: {  	v3 =	vor.u32 v3, v4  }
0x102: {  	v4 =	vperm.xlane v3, v0;
	_ =	sdelay $0x1  }
0x103: {  	v3 =	vperm.xlane v3, v2;
	v4 =	vadd.s32 v1, v4;
	_ =	sdelay $0x1  }
0x104: {  	v3 =	vadd.s32 v1, v3;
	_ =	sdelay $0x2  }
0x105: {  	[tilespmem:s24], [sflag:$0x2] =	stream.indirect_vreg.gather [hbm4b:s2+s3], $0x80, v4, vm0, $0xb8;
	[tilespmem:$0xC100] =	vst v63  }
0x106: {  	_ = 	snop  }
0x107: {  	[tilespmem:s25], [sflag:$0x2] =	stream.indirect_vreg.gather [hbm4b:s2+s3], $0x80, v3, vm0, $0xb8;
	[tilespmem:$0xC100] =	vst v63  }
0x108: {  	v3 =	vld [tilespmem:$0xA0];
	_ =	sdelay $0x4  }
0x109: {  	v48 =	vshll.u32 v3, $0x1  }
0x10a: {  	v3 =	vand.u32 $0x7, v3;
	v4 =	vand.u32 $0xFFFFFFF0, v48  }
0x10b: {  	v3 =	vor.u32 v3, v4  }
0x10c: {  	v4 =	vperm.xlane v3, v0;
	_ =	sdelay $0x1  }
0x10d: {  	v3 =	vperm.xlane v3, v2;
	v4 =	vadd.s32 v1, v4;
	_ =	sdelay $0x1  }
0x10e: {  	v3 =	vadd.s32 v1, v3;
	_ =	sdelay $0x2  }
0x10f: {  	[tilespmem:s26], [sflag:$0x2] =	stream.indirect_vreg.gather [hbm4b:s2+s3], $0x80, v4, vm0, $0xb8;
	[tilespmem:$0xC100] =	vst v63  }
0x110: {  	_ = 	snop  }
0x111: {  	[tilespmem:s28], [sflag:$0x2] =	stream.indirect_vreg.gather [hbm4b:s2+s3], $0x80, v3, vm0, $0xb8;
	[tilespmem:$0xC100] =	vst v63  }
0x112: {  	v3 =	vld [tilespmem:$0xB0];
	_ =	sdelay $0x4  }
0x113: {  	v49 =	vshll.u32 v3, $0x1  }
0x114: {  	v3 =	vand.u32 $0x7, v3;
	v4 =	vand.u32 $0xFFFFFFF0, v49  }
0x115: {  	v3 =	vor.u32 v3, v4  }
0x116: {  	v4 =	vperm.xlane v3, v0;
	_ =	sdelay $0x1  }
0x117: {  	v3 =	vperm.xlane v3, v2;
	v4 =	vadd.s32 v1, v4;
	_ =	sdelay $0x1  }
0x118: {  	v3 =	vadd.s32 v1, v3;
	_ =	sdelay $0x2  }
0x119: {  	[tilespmem:s29], [sflag:$0x2] =	stream.indirect_vreg.gather [hbm4b:s2+s3], $0x80, v4, vm0, $0xb8;
	[tilespmem:$0xC100] =	vst v63  }
0x11a: {  	_ = 	snop  }
0x11b: {  	[tilespmem:s30], [sflag:$0x2] =	stream.indirect_vreg.gather [hbm4b:s2+s3], $0x80, v3, vm0, $0xb8;
	[tilespmem:$0xC100] =	vst v63  }
0x11c: {  	v3 =	vld [tilespmem:$0xC0];
	_ =	sdelay $0x4  }
0x11d: {  	v50 =	vshll.u32 v3, $0x1  }
0x11e: {  	v3 =	vand.u32 $0x7, v3;
	v4 =	vand.u32 $0xFFFFFFF0, v50  }
0x11f: {  	v3 =	vor.u32 v3, v4  }
0x120: {  	v4 =	vperm.xlane v3, v0;
	_ =	sdelay $0x1  }
0x121: {  	v3 =	vperm.xlane v3, v2;
	v4 =	vadd.s32 v1, v4;
	_ =	sdelay $0x1  }
0x122: {  	v3 =	vadd.s32 v1, v3;
	_ =	sdelay $0x2  }
0x123: {  	[tilespmem:s31], [sflag:$0x2] =	stream.indirect_vreg.gather [hbm4b:s2+s3], $0x80, v4, vm0, $0xb8;
	[tilespmem:$0xC100] =	vst v63  }
0x124: {  	s9 =	simm.s32 $0xA900  }
0x125: {  	[tilespmem:s9], [sflag:$0x2] =	stream.indirect_vreg.gather [hbm4b:s2+s3], $0x80, v3, vm0, $0xb8;
	[tilespmem:$0xC100] =	vst v63  }
0x126: {  	v3 =	vld [tilespmem:$0xD0];
	_ =	sdelay $0x4  }
0x127: {  	v51 =	vshll.u32 v3, $0x1  }
0x128: {  	v3 =	vand.u32 $0x7, v3;
	v4 =	vand.u32 $0xFFFFFFF0, v51  }
0x129: {  	v3 =	vor.u32 v3, v4  }
0x12a: {  	v4 =	vperm.xlane v3, v0;
	_ =	sdelay $0x1  }
0x12b: {  	v3 =	vperm.xlane v3, v2;
	v4 =	vadd.s32 v1, v4;
	_ =	sdelay $0x1  }
0x12c: {  	v3 =	vadd.s32 v1, v3;
	_ =	sdelay $0x1  }
0x12d: {  	s9 =	simm.s32 $0xB100  }
0x12e: {  	[tilespmem:s9], [sflag:$0x2] =	stream.indirect_vreg.gather [hbm4b:s2+s3], $0x80, v4, vm0, $0xb8;
	[tilespmem:$0xC100] =	vst v63  }
0x12f: {  	s9 =	simm.s32 $0xB900  }
0x130: {  	[tilespmem:s9], [sflag:$0x2] =	stream.indirect_vreg.gather [hbm4b:s2+s3], $0x80, v3, vm0, $0xb8;
	[tilespmem:$0xC100] =	vst v63  }
0x131: {  	_ =	swait.ge [sflag:s1], $0x6000  }
0x132: {  	[sflag:s1] =	ssyncset.done $0x0  }
0x133: {  	s9 =	rddreg [dreg:$0xa];
	[sflag:s1] =	ssyncadd.s32 $0xFFFFA000  }
0x134: {  	[hbm4b:s9+s3] =	stream.linear.scatter [tilespmem:s19], [sflag:$0x3], $0x6000, $0x38;
	[tilespmem:$0xC100] =	vst v63  }
0x135: {  	_ =	swait.ge [sflag:s0], $0x6000  }
0x136: {  	[sflag:s0] =	ssyncset.done $0x0  }
0x137: {  	s9 =	rddreg [dreg:$0xb];
	[sflag:s0] =	ssyncadd.s32 $0xFFFFA000  }
0x138: {  	[tilespmem:s3], [sflag:$0x5] =	stream.linear.gather [hbm4b:s9+s3], $0x60, $0x38;
	[tilespmem:$0xC100] =	vst v63  }
0x139: {  	_ =	swait.ge [sflag:s5], $0x60  }
0x13a: {  	[sflag:s5] =	ssyncset.done $0x0  }
0x13b: {  	[sflag:s5] =	ssyncadd.s32 $0xFFFFFFA0  }
0x13c: {  	v3 =	vld [tilespmem:$0x0];
	_ =	sdelay $0x4  }
0x13d: {  	v52 =	vshll.u32 v3, $0x1  }
0x13e: {  	v3 =	vand.u32 $0x7, v3;
	v4 =	vand.u32 $0xFFFFFFF0, v52  }
0x13f: {  	v3 =	vor.u32 v3, v4  }
0x140: {  	v4 =	vperm.xlane v3, v0;
	_ =	sdelay $0x1  }
0x141: {  	v3 =	vperm.xlane v3, v2;
	v4 =	vadd.s32 v1, v4;
	_ =	sdelay $0x1  }
0x142: {  	v3 =	vadd.s32 v1, v3;
	_ =	sdelay $0x2  }
0x143: {  	[tilespmem:s19], [sflag:$0x1] =	stream.indirect_vreg.gather [hbm4b:s2+s3], $0x80, v4, vm0, $0xb8;
	[tilespmem:$0xC100] =	vst v63  }
0x144: {  	_ = 	snop  }
0x145: {  	[tilespmem:s10], [sflag:$0x1] =	stream.indirect_vreg.gather [hbm4b:s2+s3], $0x80, v3, vm0, $0xb8;
	[tilespmem:$0xC100] =	vst v63  }
0x146: {  	v3 =	vld [tilespmem:$0x10];
	_ =	sdelay $0x4  }
0x147: {  	v53 =	vshll.u32 v3, $0x1  }
0x148: {  	v3 =	vand.u32 $0x7, v3;
	v4 =	vand.u32 $0xFFFFFFF0, v53  }
0x149: {  	v3 =	vor.u32 v3, v4  }
0x14a: {  	v4 =	vperm.xlane v3, v0;
	_ =	sdelay $0x1  }
0x14b: {  	v3 =	vperm.xlane v3, v2;
	v4 =	vadd.s32 v1, v4;
	_ =	sdelay $0x1  }
0x14c: {  	v3 =	vadd.s32 v1, v3;
	_ =	sdelay $0x2  }
0x14d: {  	[tilespmem:s11], [sflag:$0x1] =	stream.indirect_vreg.gather [hbm4b:s2+s3], $0x80, v4, vm0, $0xb8;
	[tilespmem:$0xC100] =	vst v63  }
0x14e: {  	_ = 	snop  }
0x14f: {  	[tilespmem:s12], [sflag:$0x1] =	stream.indirect_vreg.gather [hbm4b:s2+s3], $0x80, v3, vm0, $0xb8;
	[tilespmem:$0xC100] =	vst v63  }
0x150: {  	v3 =	vld [tilespmem:$0x20];
	_ =	sdelay $0x4  }
0x151: {  	v54 =	vshll.u32 v3, $0x1  }
0x152: {  	v3 =	vand.u32 $0x7, v3;
	v4 =	vand.u32 $0xFFFFFFF0, v54  }
0x153: {  	v3 =	vor.u32 v3, v4  }
0x154: {  	v4 =	vperm.xlane v3, v0;
	_ =	sdelay $0x1  }
0x155: {  	v3 =	vperm.xlane v3, v2;
	v4 =	vadd.s32 v1, v4;
	_ =	sdelay $0x1  }
0x156: {  	v3 =	vadd.s32 v1, v3;
	_ =	sdelay $0x2  }
0x157: {  	[tilespmem:s13], [sflag:$0x1] =	stream.indirect_vreg.gather [hbm4b:s2+s3], $0x80, v4, vm0, $0xb8;
	[tilespmem:$0xC100] =	vst v63  }
0x158: {  	_ = 	snop  }
0x159: {  	[tilespmem:s14], [sflag:$0x1] =	stream.indirect_vreg.gather [hbm4b:s2+s3], $0x80, v3, vm0, $0xb8;
	[tilespmem:$0xC100] =	vst v63  }
0x15a: {  	v3 =	vld [tilespmem:$0x30];
	_ =	sdelay $0x4  }
0x15b: {  	v55 =	vshll.u32 v3, $0x1  }
0x15c: {  	v3 =	vand.u32 $0x7, v3;
	v4 =	vand.u32 $0xFFFFFFF0, v55  }
0x15d: {  	v3 =	vor.u32 v3, v4  }
0x15e: {  	v4 =	vperm.xlane v3, v0;
	_ =	sdelay $0x1  }
0x15f: {  	v3 =	vperm.xlane v3, v2;
	v4 =	vadd.s32 v1, v4;
	_ =	sdelay $0x1  }
0x160: {  	v3 =	vadd.s32 v1, v3;
	_ =	sdelay $0x2  }
0x161: {  	[tilespmem:s15], [sflag:$0x1] =	stream.indirect_vreg.gather [hbm4b:s2+s3], $0x80, v4, vm0, $0xb8;
	[tilespmem:$0xC100] =	vst v63  }
0x162: {  	_ = 	snop  }
0x163: {  	[tilespmem:s16], [sflag:$0x1] =	stream.indirect_vreg.gather [hbm4b:s2+s3], $0x80, v3, vm0, $0xb8;
	[tilespmem:$0xC100] =	vst v63  }
0x164: {  	v3 =	vld [tilespmem:$0x40];
	_ =	sdelay $0x4  }
0x165: {  	v56 =	vshll.u32 v3, $0x1  }
0x166: {  	v3 =	vand.u32 $0x7, v3;
	v4 =	vand.u32 $0xFFFFFFF0, v56  }
0x167: {  	v3 =	vor.u32 v3, v4  }
0x168: {  	v4 =	vperm.xlane v3, v0;
	_ =	sdelay $0x1  }
0x169: {  	v3 =	vperm.xlane v3, v2;
	v4 =	vadd.s32 v1, v4;
	_ =	sdelay $0x1  }
0x16a: {  	v3 =	vadd.s32 v1, v3;
	_ =	sdelay $0x2  }
0x16b: {  	[tilespmem:s17], [sflag:$0x1] =	stream.indirect_vreg.gather [hbm4b:s2+s3], $0x80, v4, vm0, $0xb8;
	[tilespmem:$0xC100] =	vst v63  }
0x16c: {  	_ = 	snop  }
0x16d: {  	[tilespmem:s18], [sflag:$0x1] =	stream.indirect_vreg.gather [hbm4b:s2+s3], $0x80, v3, vm0, $0xb8;
	[tilespmem:$0xC100] =	vst v63  }
0x16e: {  	v3 =	vld [tilespmem:$0x50];
	_ =	sdelay $0x4  }
0x16f: {  	v57 =	vshll.u32 v3, $0x1  }
0x170: {  	v3 =	vand.u32 $0x7, v3;
	v4 =	vand.u32 $0xFFFFFFF0, v57  }
0x171: {  	v3 =	vor.u32 v3, v4  }
0x172: {  	v4 =	vperm.xlane v3, v0;
	_ =	sdelay $0x1  }
0x173: {  	v3 =	vperm.xlane v3, v2;
	v4 =	vadd.s32 v1, v4;
	_ =	sdelay $0x1  }
0x174: {  	v3 =	vadd.s32 v1, v3;
	_ =	sdelay $0x2  }
0x175: {  	[tilespmem:s20], [sflag:$0x1] =	stream.indirect_vreg.gather [hbm4b:s2+s3], $0x80, v4, vm0, $0xb8;
	[tilespmem:$0xC100] =	vst v63  }
0x176: {  	_ = 	snop  }
0x177: {  	[tilespmem:s21], [sflag:$0x1] =	stream.indirect_vreg.gather [hbm4b:s2+s3], $0x80, v3, vm0, $0xb8;
	[tilespmem:$0xC100] =	vst v63  }
0x178: {  	_ =	swait.ge [sflag:s7], $0x6000  }
0x179: {  	[sflag:s7] =	ssyncset.done $0x0  }
0x17a: {  	s9 =	rddreg [dreg:$0xc];
	[sflag:s7] =	ssyncadd.s32 $0xFFFFA000  }
0x17b: {  	[hbm4b:s9+s3] =	stream.linear.scatter [tilespmem:s6], [sflag:$0x4], $0x6000, $0x38;
	[tilespmem:$0xC100] =	vst v63  }
0x17c: {  	_ =	swait.ge [sflag:s8], $0x6000  }
0x17d: {  	[sflag:s8] =	ssyncset.done $0x0  }
0x17e: {  	s9 =	rddreg [dreg:$0xd];
	[sflag:s8] =	ssyncadd.s32 $0xFFFFA000  }
0x17f: {  	[tilespmem:s22], [sflag:$0x5] =	stream.linear.gather [hbm4b:s9+s3], $0x60, $0x38;
	[tilespmem:$0xC100] =	vst v63  }
0x180: {  	_ =	swait.ge [sflag:s5], $0x60  }
0x181: {  	[sflag:s5] =	ssyncset.done $0x0  }
0x182: {  	[sflag:s5] =	ssyncadd.s32 $0xFFFFFFA0  }
0x183: {  	v3 =	vld [tilespmem:$0x80];
	_ =	sdelay $0x4  }
0x184: {  	v58 =	vshll.u32 v3, $0x1  }
0x185: {  	v3 =	vand.u32 $0x7, v3;
	v4 =	vand.u32 $0xFFFFFFF0, v58  }
0x186: {  	v3 =	vor.u32 v3, v4  }
0x187: {  	v4 =	vperm.xlane v3, v0;
	_ =	sdelay $0x1  }
0x188: {  	v3 =	vperm.xlane v3, v2;
	v4 =	vadd.s32 v1, v4;
	_ =	sdelay $0x1  }
0x189: {  	v3 =	vadd.s32 v1, v3;
	_ =	sdelay $0x2  }
0x18a: {  	[tilespmem:s6], [sflag:$0x2] =	stream.indirect_vreg.gather [hbm4b:s2+s3], $0x80, v4, vm0, $0xb8;
	[tilespmem:$0xC100] =	vst v63  }
0x18b: {  	_ = 	snop  }
0x18c: {  	[tilespmem:s23], [sflag:$0x2] =	stream.indirect_vreg.gather [hbm4b:s2+s3], $0x80, v3, vm0, $0xb8;
	[tilespmem:$0xC100] =	vst v63  }
0x18d: {  	v3 =	vld [tilespmem:$0x90];
	_ =	sdelay $0x4  }
0x18e: {  	v59 =	vshll.u32 v3, $0x1  }
0x18f: {  	v3 =	vand.u32 $0x7, v3;
	v4 =	vand.u32 $0xFFFFFFF0, v59  }
0x190: {  	v3 =	vor.u32 v3, v4  }
0x191: {  	v4 =	vperm.xlane v3, v0;
	_ =	sdelay $0x1  }
0x192: {  	v3 =	vperm.xlane v3, v2;
	v4 =	vadd.s32 v1, v4;
	_ =	sdelay $0x1  }
0x193: {  	v3 =	vadd.s32 v1, v3;
	_ =	sdelay $0x2  }
0x194: {  	[tilespmem:s24], [sflag:$0x2] =	stream.indirect_vreg.gather [hbm4b:s2+s3], $0x80, v4, vm0, $0xb8;
	[tilespmem:$0xC100] =	vst v63  }
0x195: {  	_ = 	snop  }
0x196: {  	[tilespmem:s25], [sflag:$0x2] =	stream.indirect_vreg.gather [hbm4b:s2+s3], $0x80, v3, vm0, $0xb8;
	[tilespmem:$0xC100] =	vst v63  }
0x197: {  	v3 =	vld [tilespmem:$0xA0];
	_ =	sdelay $0x4  }
0x198: {  	v60 =	vshll.u32 v3, $0x1  }
0x199: {  	v3 =	vand.u32 $0x7, v3;
	v4 =	vand.u32 $0xFFFFFFF0, v60  }
0x19a: {  	v3 =	vor.u32 v3, v4  }
0x19b: {  	v4 =	vperm.xlane v3, v0;
	_ =	sdelay $0x1  }
0x19c: {  	v3 =	vperm.xlane v3, v2;
	v4 =	vadd.s32 v1, v4;
	_ =	sdelay $0x1  }
0x19d: {  	v3 =	vadd.s32 v1, v3;
	_ =	sdelay $0x2  }
0x19e: {  	[tilespmem:s26], [sflag:$0x2] =	stream.indirect_vreg.gather [hbm4b:s2+s3], $0x80, v4, vm0, $0xb8;
	[tilespmem:$0xC100] =	vst v63  }
0x19f: {  	_ = 	snop  }
0x1a0: {  	[tilespmem:s28], [sflag:$0x2] =	stream.indirect_vreg.gather [hbm4b:s2+s3], $0x80, v3, vm0, $0xb8;
	[tilespmem:$0xC100] =	vst v63  }
0x1a1: {  	v3 =	vld [tilespmem:$0xB0];
	_ =	sdelay $0x4  }
0x1a2: {  	v61 =	vshll.u32 v3, $0x1  }
0x1a3: {  	v3 =	vand.u32 $0x7, v3;
	v4 =	vand.u32 $0xFFFFFFF0, v61  }
0x1a4: {  	v3 =	vor.u32 v3, v4  }
0x1a5: {  	v4 =	vperm.xlane v3, v0;
	_ =	sdelay $0x1  }
0x1a6: {  	v3 =	vperm.xlane v3, v2;
	v4 =	vadd.s32 v1, v4;
	_ =	sdelay $0x1  }
0x1a7: {  	v3 =	vadd.s32 v1, v3;
	_ =	sdelay $0x2  }
0x1a8: {  	[tilespmem:s29], [sflag:$0x2] =	stream.indirect_vreg.gather [hbm4b:s2+s3], $0x80, v4, vm0, $0xb8;
	[tilespmem:$0xC100] =	vst v63  }
0x1a9: {  	_ = 	snop  }
0x1aa: {  	[tilespmem:s30], [sflag:$0x2] =	stream.indirect_vreg.gather [hbm4b:s2+s3], $0x80, v3, vm0, $0xb8;
	[tilespmem:$0xC100] =	vst v63  }
0x1ab: {  	v3 =	vld [tilespmem:$0xC0];
	_ =	sdelay $0x4  }
0x1ac: {  	v62 =	vshll.u32 v3, $0x1  }
0x1ad: {  	v3 =	vand.u32 $0x7, v3;
	v4 =	vand.u32 $0xFFFFFFF0, v62  }
0x1ae: {  	v3 =	vor.u32 v3, v4  }
0x1af: {  	v4 =	vperm.xlane v3, v0;
	_ =	sdelay $0x1  }
0x1b0: {  	v3 =	vperm.xlane v3, v2;
	v4 =	vadd.s32 v1, v4;
	_ =	sdelay $0x1  }
0x1b1: {  	v3 =	vadd.s32 v1, v3;
	_ =	sdelay $0x2  }
0x1b2: {  	[tilespmem:s31], [sflag:$0x2] =	stream.indirect_vreg.gather [hbm4b:s2+s3], $0x80, v4, vm0, $0xb8;
	[tilespmem:$0xC100] =	vst v63  }
0x1b3: {  	s9 =	simm.s32 $0xA900  }
0x1b4: {  	[tilespmem:s9], [sflag:$0x2] =	stream.indirect_vreg.gather [hbm4b:s2+s3], $0x80, v3, vm0, $0xb8;
	[tilespmem:$0xC100] =	vst v63  }
0x1b5: {  	v3 =	vld [tilespmem:$0xD0];
	_ =	sdelay $0x4  }
0x1b6: {  	v63 =	vshll.u32 v3, $0x1  }
0x1b7: {  	v3 =	vand.u32 $0x7, v3;
	v4 =	vand.u32 $0xFFFFFFF0, v63  }
0x1b8: {  	v3 =	vor.u32 v3, v4  }
0x1b9: {  	v4 =	vperm.xlane v3, v0;
	_ =	sdelay $0x1  }
0x1ba: {  	v3 =	vperm.xlane v3, v2;
	v4 =	vadd.s32 v1, v4;
	_ =	sdelay $0x1  }
0x1bb: {  	v3 =	vadd.s32 v1, v3;
	_ =	sdelay $0x1  }
0x1bc: {  	s9 =	simm.s32 $0xB100  }
0x1bd: {  	[tilespmem:s9], [sflag:$0x2] =	stream.indirect_vreg.gather [hbm4b:s2+s3], $0x80, v4, vm0, $0xb8;
	[tilespmem:$0xC100] =	vst v63  }
0x1be: {  	s9 =	simm.s32 $0xB900  }
0x1bf: {  	[tilespmem:s9], [sflag:$0x2] =	stream.indirect_vreg.gather [hbm4b:s2+s3], $0x80, v3, vm0, $0xb8;
	[tilespmem:$0xC100] =	vst v63  }
0x1c0: {  	_ =	swait.ge [sflag:s1], $0x6000  }
0x1c1: {  	[sflag:s1] =	ssyncset.done $0x0  }
0x1c2: {  	s9 =	rddreg [dreg:$0xe];
	[sflag:s1] =	ssyncadd.s32 $0xFFFFA000  }
0x1c3: {  	[hbm4b:s9+s3] =	stream.linear.scatter [tilespmem:s19], [sflag:$0x3], $0x6000, $0x38;
	[tilespmem:$0xC100] =	vst v63  }
0x1c4: {  	_ =	swait.ge [sflag:s7], $0x6000  }
0x1c5: {  	[sflag:s7] =	ssyncset.done $0x0  }
0x1c6: {  	s9 =	rddreg [dreg:$0xf];
	[sflag:s7] =	ssyncadd.s32 $0xFFFFA000  }
0x1c7: {  	[hbm4b:s9+s3] =	stream.linear.scatter [tilespmem:s6], [sflag:$0x4], $0x6000, $0x38;
	[tilespmem:$0xC100] =	vst v63  }
0x1c8: {  	p0 =	sne.s32 s4, $0x1;
	_ =	swait.ge [sflag:s8], $0x6000  }
.Ltmp0:
0x1c9: {  	[sflag:s8] =	ssyncset.done $0x0;
	(pc) =	sbr.rel @p0 .LBB2_1-.Ltmp0, $4  }
0x1ca: {  	[sflag:s8] =	ssyncadd.s32 $0xFFFFA000  }
0x1cb: {  	_ =	swait.ge [sflag:s0], $0x6000  }
0x1cc: {  	[sflag:s0] =	ssyncset.done $0x0  }
0x1cd: {  	s4 =	sadd.s32 $0xFFFFFFFF, s4;
	[sflag:s0] =	ssyncadd.s32 $0xFFFFA000  }
0x1ce: {  	_ =	sfence.sel $0x180000  }
0x1cf: {  	[bflag:$0x0] =	sbarrier.arrive $0xFFFF  }
0x1d0: {  	_ =	strace $0x90000047  }
0x1d1: {  	s0 =	stileid.u32;
	[bflag:$0x2] =	sbarrier.arrive $0xFFFF  }
0x1d2: {  	p0 =	sne.s32 s0, $0x0;
	s0 =	rddreg [dreg:$0x3]  }
0x1d3: {  	s0 =	sadd.s32 @!p0 $0x100000, s0  }
0x1d4: {  	[sflag:s0] =	ssyncadd.tile.s32 @!p0 $0x1;
	_ =	shalt  }
.Lfunc_end2:
_tile_overlayer_lowered:
.L_overlay_start_2:
0x1d5: {  	(tag) =	ssettag $0x2  }
0x1d6: {  	s0 =	rddreg [dreg:$0x0];
	s2 =	stileid.u32  }
0x1d7: {  	s1 =	rddreg [dreg:$0x1];
	p0 =	sne.s32 s2, $0x0  }
0x1d8: {  	s3 =	rddreg [dreg:$0x2];
	[bflag:$0x3] =	sbarrier.arrive $0xFFFF;
	s2 =	simm.s32 @!p0 $0x1C05  }
0x1d9: {  	[timem:s3], [sflag:s2] =	dma.local @!p0 [hbm:s0], s1  }
0x1da: {  	s0 =	simm.s32 @!p0 $0x5  }
0x1db: {  	_ =	swait.ge @!p0 [sflag:s0], s1  }
0x1dc: {  	s1 =	ssub.s32 @!p0 $0x0, s1;
	[sflag:s0] =	ssyncset.done @!p0 $0x0  }
0x1dd: {  	[sflag:s0] =	ssyncadd.s32 @!p0 s1  }
0x1de: {  	[bflag:$0x3] =	sbarrier.arrive $0xFFFF  }
0x1df: {  	_ =	shalt  }

</sc_bundles>
